<compile_context>
chip_gen: v7x
topology: tpu7x:2x2x1
jax: 0.10.2.dev20260603
libtpu: 0.0.44.dev20260713+nightly
codegen_flags: <defaults>
</compile_context>

<pallas_src>
import functools

import jax
import jax.numpy as jnp
from jax import lax
from jax.experimental import pallas as pl
from jax.experimental.pallas import tpu as pltpu
from jax.experimental.pallas import tpu_sc as plsc

L = 16
NC = 2
NS = 16
NW = NC * NS
K = 1024
NREP = 17
NCH = 3
SROWS = 8
UNROLL = 4


def _pool_body(B, C, img_hbm, spx_hbm, partial_hbm, idx_v,
               i00, i01, i10, i11, i20, i21,
               a0, a1, a2, r0, r1, r2,
               s00, s01, s10, s11, s20, s21):
    _, H, W = spx_hbm.shape
    ranges_per_batch = NW // B
    rows_t = H // ranges_per_batch
    nstrip = rows_t // SROWS
    vec_per_row = W // L
    quads_per_row = vec_per_row // UNROLL

    cid = lax.axis_index("c")
    sid = lax.axis_index("s")
    wid = sid * NC + cid
    b = wid // ranges_per_batch
    r = wid % ranges_per_batch
    row0 = r * rows_t

    bufs = ((i00, i01), (i10, i11), (i20, i21))
    sems = ((s00, s01), (s10, s11), (s20, s21))
    accs = (a0, a1, a2)
    reds = (r0, r1, r2)

    neg = jnp.full((L,), -jnp.inf, jnp.float32)

    pltpu.sync_copy(spx_hbm.at[b, pl.ds(row0, rows_t)], idx_v)

    @plsc.parallel_loop(0, NREP * K // L, unroll=8)
    def _init(i):
        for ch in range(NCH):
            accs[ch][pl.ds(i * L, L)] = neg

    def _flatten(i, rmax):
        row = i >> 5
        col = (i & (vec_per_row - 1)) * L
        lab = idx_v[row, pl.ds(col, L)]
        cnt, _ = plsc.scan_count(lab)
        idx_v[row, pl.ds(col, L)] = cnt * K + lab
        return jnp.maximum(rmax, cnt)

    rmax = lax.fori_loop(0, rows_t * vec_per_row, _flatten,
                         jnp.zeros((L,), jnp.int32))
    n_rep = jnp.max(rmax) + 1

    def _start(c0, strip, par):
        for ch in range(NCH):
            pltpu.async_copy(
                img_hbm.at[b * C + c0 + ch,
                           pl.ds(row0 + strip * SROWS, SROWS)],
                bufs[ch][par], sems[ch][par])

    def _wait(c0, strip, par):
        for ch in range(NCH):
            pltpu.make_async_copy(
                img_hbm.at[b * C + c0 + ch,
                           pl.ds(row0 + strip * SROWS, SROWS)],
                bufs[ch][par], sems[ch][par]).wait()

    def _update_strip(strip, par):
        ia = tuple(bufs[ch][par] for ch in range(NCH))

        def _ub(i, carry):
            row = i // quads_per_row
            co = (i % quads_per_row) * (UNROLL * L)
            srow = strip * SROWS + row
            idxs = []
            vals = []
            for u in range(UNROLL):
                idxs.append(idx_v[srow, pl.ds(co + u * L, L)])
            for u in range(UNROLL):
                vals.append(tuple(ia[ch][row, pl.ds(co + u * L, L)]
                                  for ch in range(NCH)))
            for u in range(UNROLL):
                g = [plsc.load_gather(accs[ch], [idxs[u]])
                     for ch in range(NCH)]
                m = [jnp.maximum(g[ch], vals[u][ch]) for ch in range(NCH)]
                for ch in range(NCH):
                    plsc.store_scatter(accs[ch], [idxs[u]], m[ch])
            return carry

        lax.fori_loop(0, SROWS * quads_per_row, _ub, 0)

    _start(0, 0, 0)

    def _group(grp, carry):
        c0 = NCH * grp

        def _strippair(j, carry2):
            st0 = 2 * j
            _wait(c0, st0, 0)
            _start(c0, st0 + 1, 1)
            _update_strip(st0, 0)
            _wait(c0, st0 + 1, 1)

            @pl.when(j + 1 < nstrip // 2)
            def _():
                _start(c0, st0 + 2, 0)

            @pl.when(jnp.logical_and(j + 1 == nstrip // 2,
                                     grp + 1 < C // NCH))
            def _():
                _start(c0 + NCH, 0, 0)

            _update_strip(st0 + 1, 1)
            return carry2

        lax.fori_loop(0, nstrip // 2, _strippair, 0)

        @plsc.parallel_loop(0, K // L, unroll=4)
        def _red0(g):
            for ch in range(NCH):
                reds[ch][pl.ds(g * L, L)] = accs[ch][pl.ds(g * L, L)]
                accs[ch][pl.ds(g * L, L)] = neg

        def _redrep(rep, carry2):
            @plsc.parallel_loop(0, K // L, unroll=4)
            def _redr(g):
                for ch in range(NCH):
                    off = rep * K + g * L
                    v = accs[ch][pl.ds(off, L)]
                    accs[ch][pl.ds(off, L)] = neg
                    reds[ch][pl.ds(g * L, L)] = jnp.maximum(
                        reds[ch][pl.ds(g * L, L)], v)
            return carry2

        lax.fori_loop(1, n_rep, _redrep, 0)

        for ch in range(NCH):
            pltpu.sync_copy(
                reds[ch],
                partial_hbm.at[pl.ds(
                    ((b * ranges_per_batch + r) * C + c0 + ch) * K, K)])
        return carry

    lax.fori_loop(0, C // NCH, _group, 0)


def _merge_body(p_ref, o_ref):
    o_ref[...] = jnp.max(p_ref[...], axis=1)


@jax.jit
def kernel(img, spx):
    B, C, H, W = img.shape
    img3 = img.reshape(B * C, H, W)
    ranges_per_batch = NW // B
    rows_t = H // ranges_per_batch

    mesh = plsc.VectorSubcoreMesh(
        core_axis_name="c", subcore_axis_name="s", num_cores=NC,
        num_subcores=NS)
    pool = pl.kernel(
        functools.partial(_pool_body, B, C),
        out_type=jax.ShapeDtypeStruct((B * ranges_per_batch * C * K,),
                                      jnp.float32),
        mesh=mesh,
        compiler_params=pltpu.CompilerParams(
            needs_layout_passes=False, use_tc_tiling_on_sc=True),
        scratch_types=(
            [pltpu.VMEM((rows_t, W), jnp.int32)]
            + [pltpu.VMEM((SROWS, W), jnp.float32)
               for _ in range(2 * NCH)]
            + [pltpu.VMEM((NREP * K,), jnp.float32) for _ in range(NCH)]
            + [pltpu.VMEM((K,), jnp.float32) for _ in range(NCH)]
            + [pltpu.SemaphoreType.DMA for _ in range(2 * NCH)]
        ),
    )
    partial = pool(img3, spx).reshape(B, ranges_per_batch, C, K)

    out = pl.pallas_call(
        _merge_body,
        grid=(B,),
        in_specs=[pl.BlockSpec((1, ranges_per_batch, C, K),
                               lambda i: (i, 0, 0, 0))],
        out_specs=pl.BlockSpec((1, C, K), lambda i: (i, 0, 0)),
        out_shape=jax.ShapeDtypeStruct((B, C, K), jnp.float32),
    )(partial)
    return out

# --- scband reference (transcript-rebuilt; emitter-appended) ---
"""Pipeline reference for scband-max-sup-pix-pool-17179869891 (READ-ONLY COPY).

The authoritative reference and input builder live on the scoring server;
editing this copy changes nothing except your own understanding.
"""

import jax, jax.numpy as jnp
import numpy as np


def setup_inputs(seed: int = 0) -> dict:
    key = jax.random.key(seed)
    k1, k2 = jax.random.split(key)
    img = jax.random.normal(k1, (4, 96, 512, 512), dtype=jnp.float32)
    spx = jax.random.randint(k2, (4, 512, 512), 0, 1024, dtype=jnp.int32)
    return {"img": img, "spx": spx}


def reference(img, spx):
    # MaxSupPixPool: for each batch b, channel c, superpixel k:
    #   out[b, c, k] = max over pixels (h, w) with spx[b, h, w] == k of img[b, c, h, w]
    B, C, H, W = img.shape
    K = 1024
    # flatten pixels, move channels last for segment reduce
    flat_img = img.transpose(0, 2, 3, 1).reshape(B * H * W, C)
    offsets = (jnp.arange(B, dtype=spx.dtype) * K)[:, None, None]
    seg = (spx + offsets).reshape(B * H * W)
    pooled = jax.ops.segment_max(flat_img, seg, num_segments=B * K)  # [B*K, C]
    out = pooled.reshape(B, K, C).transpose(0, 2, 1)  # [B, C, K]
    return out

if __name__ == "__main__":
    import jax
    _d = setup_inputs()
    print(jax.jit(kernel)(*tuple(_d.values())))

</pallas_src>

<mosaic_0001>
#map = affine_map<(d0, d1) -> (0, 0, 0)>
#map1 = affine_map<(d0, d1) -> (0)>
module attributes {stable_mosaic.version = 14 : i64} {
  func.func @_pool_body(%arg0: i32, %arg1: i32, %arg2: memref<384x512x512xf32, #tpu.memory_space<hbm>>, %arg3: memref<4x512x512xi32, #tpu.memory_space<hbm>>, %arg4: memref<3145728xf32, #tpu.memory_space<hbm>>, %arg5: memref<64x512xi32, #tpu.memory_space<vmem>>, %arg6: memref<8x512xf32, #tpu.memory_space<vmem>>, %arg7: memref<8x512xf32, #tpu.memory_space<vmem>>, %arg8: memref<8x512xf32, #tpu.memory_space<vmem>>, %arg9: memref<8x512xf32, #tpu.memory_space<vmem>>, %arg10: memref<8x512xf32, #tpu.memory_space<vmem>>, %arg11: memref<8x512xf32, #tpu.memory_space<vmem>>, %arg12: memref<17408xf32, #tpu.memory_space<vmem>>, %arg13: memref<17408xf32, #tpu.memory_space<vmem>>, %arg14: memref<17408xf32, #tpu.memory_space<vmem>>, %arg15: memref<1024xf32, #tpu.memory_space<vmem>>, %arg16: memref<1024xf32, #tpu.memory_space<vmem>>, %arg17: memref<1024xf32, #tpu.memory_space<vmem>>, %arg18: memref<!tpu.dma_semaphore, #tpu.memory_space<semaphore_mem>>, %arg19: memref<!tpu.dma_semaphore, #tpu.memory_space<semaphore_mem>>, %arg20: memref<!tpu.dma_semaphore, #tpu.memory_space<semaphore_mem>>, %arg21: memref<!tpu.dma_semaphore, #tpu.memory_space<semaphore_mem>>, %arg22: memref<!tpu.dma_semaphore, #tpu.memory_space<semaphore_mem>>, %arg23: memref<!tpu.dma_semaphore, #tpu.memory_space<semaphore_mem>>) attributes {dimension_semantics = [#tpu.dimension_semantics<core_parallel>, #tpu.dimension_semantics<subcore_parallel>], iteration_bounds = array<i64: 2, 16>, scalar_prefetch = 0 : i64, scratch_operands = 19 : i64, tpu.core_type = #tpu.core_type<sc_vector_subcore>, window_params = [{transform_indices = #map}, {transform_indices = #map}, {transform_indices = #map1}]} {
    %mul3A = arith.constant 2 : i32
    %mul3A_0 = arith.muli %arg1, %mul3A : i32
    %add3A = arith.addi %mul3A_0, %arg0 : i32
    %jit3A = arith.constant 8 : i32
    %div3A = arith.divsi %add3A, %jit3A : i32
    %sign3A = arith.constant 0 : i32
    %sign3A_1 = arith.cmpi sgt, %add3A, %sign3A : i32
    %sign3A_2 = arith.extui %sign3A_1 : i1 to i32
    %sign3A_3 = arith.constant 0 : i32
    %sign3A_4 = arith.cmpi slt, %add3A, %sign3A_3 : i32
    %sign3A_5 = arith.extui %sign3A_4 : i1 to i32
    %sign3A_6 = arith.subi %sign3A_2, %sign3A_5 : i32
    %sign3A_7 = arith.constant 0 : i32
    %sign3A_8 = arith.cmpi sgt, %jit3A, %sign3A_7 : i32
    %sign3A_9 = arith.extui %sign3A_8 : i1 to i32
    %sign3A_10 = arith.constant 0 : i32
    %sign3A_11 = arith.cmpi slt, %jit3A, %sign3A_10 : i32
    %sign3A_12 = arith.extui %sign3A_11 : i1 to i32
    %sign3A_13 = arith.subi %sign3A_9, %sign3A_12 : i32
    %ne3A = arith.cmpi ne, %sign3A_6, %sign3A_13 : i32
    %rem3A = arith.remsi %add3A, %jit3A : i32
    %ne3A_14 = arith.constant 0 : i32
    %ne3A_15 = arith.cmpi ne, %rem3A, %ne3A_14 : i32
    %and3A = arith.andi %ne3A, %ne3A_15 : i1
    %sub3A = arith.constant 1 : i32
    %sub3A_16 = arith.subi %div3A, %sub3A : i32
    %select_n3A = arith.select %and3A, %sub3A_16, %div3A : i32
    %jit3A_17 = arith.constant 8 : i32
    %eq3A = arith.constant 0 : i32
    %eq3A_18 = arith.cmpi eq, %jit3A_17, %eq3A : i32
    %jit3A_19 = arith.constant 1 : i32
    %select_n3A_20 = arith.select %eq3A_18, %jit3A_19, %jit3A_17 : i32
    %rem3A_21 = arith.remsi %add3A, %select_n3A_20 : i32
    %ne3A_22 = arith.constant 0 : i32
    %ne3A_23 = arith.cmpi ne, %rem3A_21, %ne3A_22 : i32
    %lt3A = arith.constant 0 : i32
    %lt3A_24 = arith.cmpi slt, %rem3A_21, %lt3A : i32
    %lt3A_25 = arith.constant 0 : i32
    %lt3A_26 = arith.cmpi slt, %select_n3A_20, %lt3A_25 : i32
    %ne3A_27 = arith.xori %lt3A_24, %lt3A_26 : i1
    %and3A_28 = arith.andi %ne3A_27, %ne3A_23 : i1
    %add3A_29 = arith.addi %rem3A_21, %select_n3A_20 : i32
    %select_n3A_30 = arith.select %and3A_28, %add3A_29, %rem3A_21 : i32
    %mul3A_31 = arith.constant 64 : i32
    %mul3A_32 = arith.muli %select_n3A_30, %mul3A_31 : i32
    %broadcast_in_dim3A = arith.constant 0xFF800000 : f32
    %broadcast_in_dim3A_33 = vector.broadcast %broadcast_in_dim3A : f32 to vector<16xf32>
    "tpu.region"() ({
      %run_scoped3A = tpu.sem_alloc : memref<!tpu.dma_semaphore, #tpu.memory_space<semaphore_mem>>
      %dma_start3A_99 = arith.constant 0 : i32
      %dma_start3A_100 = tpu.memref_slice %arg3[%select_n3A, %mul3A_32, %dma_start3A_99] : memref<4x512x512xi32, #tpu.memory_space<hbm>> -> memref<1x64x512xi32, #tpu.memory_space<hbm>>
      %dma_start3A_101 = tpu.memref_squeeze %dma_start3A_100 : memref<1x64x512xi32, #tpu.memory_space<hbm>> -> memref<64x512xi32, #tpu.memory_space<hbm>>
      %dma_start3A_102 = arith.constant 0 : i32
      %dma_start3A_103 = tpu.memref_slice %arg3[%select_n3A, %mul3A_32, %dma_start3A_102] : memref<4x512x512xi32, #tpu.memory_space<hbm>> -> memref<1x64x512xi32, #tpu.memory_space<hbm>>
      %dma_start3A_104 = tpu.memref_squeeze %dma_start3A_103 : memref<1x64x512xi32, #tpu.memory_space<hbm>> -> memref<64x512xi32, #tpu.memory_space<hbm>>
      tpu.enqueue_dma source(%dma_start3A_104 : memref<64x512xi32, #tpu.memory_space<hbm>>) target(%arg5 : memref<64x512xi32, #tpu.memory_space<vmem>>) target_semaphore(%run_scoped3A : memref<!tpu.dma_semaphore, #tpu.memory_space<semaphore_mem>>)
      %dma_wait3A = arith.constant 0 : i32
      %dma_wait3A_105 = tpu.memref_slice %arg3[%select_n3A, %mul3A_32, %dma_wait3A] : memref<4x512x512xi32, #tpu.memory_space<hbm>> -> memref<1x64x512xi32, #tpu.memory_space<hbm>>
      %dma_wait3A_106 = tpu.memref_squeeze %dma_wait3A_105 : memref<1x64x512xi32, #tpu.memory_space<hbm>> -> memref<64x512xi32, #tpu.memory_space<hbm>>
      %dma_wait3A_107 = arith.constant 0 : i32
      %dma_wait3A_108 = tpu.memref_slice %arg3[%select_n3A, %mul3A_32, %dma_wait3A_107] : memref<4x512x512xi32, #tpu.memory_space<hbm>> -> memref<1x64x512xi32, #tpu.memory_space<hbm>>
      %dma_wait3A_109 = tpu.memref_squeeze %dma_wait3A_108 : memref<1x64x512xi32, #tpu.memory_space<hbm>> -> memref<64x512xi32, #tpu.memory_space<hbm>>
      tpu.wait_dma2 semaphore(%run_scoped3A : memref<!tpu.dma_semaphore, #tpu.memory_space<semaphore_mem>>) src(%dma_wait3A_109 : memref<64x512xi32, #tpu.memory_space<hbm>>) dst(%arg5 : memref<64x512xi32, #tpu.memory_space<vmem>>)
      tpu.yield
    }) : () -> ()
    %parallel_loop3A = arith.constant 0 : i32
    %parallel_loop3A_34 = arith.constant 1088 : i32
    %parallel_loop3A_35 = arith.constant 1 : i32
    scf.for %parallel_loop3A_99 = %parallel_loop3A to %parallel_loop3A_34 step %parallel_loop3A_35  : i32 {
      %parallel_loop3A_100 = arith.constant 16 : i32
      %parallel_loop3A_101 = arith.muli %parallel_loop3A_99, %parallel_loop3A_100 : i32
      %parallel_loop3A_102 = arith.index_cast %parallel_loop3A_101 : i32 to index
      %parallel_loop3A_103 = tpu.vector_load %arg12[%parallel_loop3A_102] {strides = array<i32>} : memref<17408xf32, #tpu.memory_space<vmem>>, vector<16xf32>,
      tpu.vector_store %arg12[%parallel_loop3A_102], %broadcast_in_dim3A_33 {strides = array<i32>} : memref<17408xf32, #tpu.memory_space<vmem>>, vector<16xf32>,
      %parallel_loop3A_104 = arith.constant 16 : i32
      %parallel_loop3A_105 = arith.muli %parallel_loop3A_99, %parallel_loop3A_104 : i32
      %parallel_loop3A_106 = arith.index_cast %parallel_loop3A_105 : i32 to index
      %parallel_loop3A_107 = tpu.vector_load %arg13[%parallel_loop3A_106] {strides = array<i32>} : memref<17408xf32, #tpu.memory_space<vmem>>, vector<16xf32>,
      tpu.vector_store %arg13[%parallel_loop3A_106], %broadcast_in_dim3A_33 {strides = array<i32>} : memref<17408xf32, #tpu.memory_space<vmem>>, vector<16xf32>,
      %parallel_loop3A_108 = arith.constant 16 : i32
      %parallel_loop3A_109 = arith.muli %parallel_loop3A_99, %parallel_loop3A_108 : i32
      %parallel_loop3A_110 = arith.index_cast %parallel_loop3A_109 : i32 to index
      %parallel_loop3A_111 = tpu.vector_load %arg14[%parallel_loop3A_110] {strides = array<i32>} : memref<17408xf32, #tpu.memory_space<vmem>>, vector<16xf32>,
      tpu.vector_store %arg14[%parallel_loop3A_110], %broadcast_in_dim3A_33 {strides = array<i32>} : memref<17408xf32, #tpu.memory_space<vmem>>, vector<16xf32>,
    } {sc.loop_unroll_factor = 8 : i64, sc.parallel_access}
    %broadcast_in_dim3A_36 = arith.constant 0 : i32
    %broadcast_in_dim3A_37 = vector.broadcast %broadcast_in_dim3A_36 : i32 to vector<16xi32>
    %scan3A = arith.constant 0 : i32
    %scan3A_38 = arith.constant 2048 : i32
    %scan3A_39 = arith.addi %scan3A, %scan3A_38 : i32
    %scan3A_40 = arith.constant 1 : i32
    %scan3A_41 = scf.for %scan3A_99 = %scan3A to %scan3A_39 step %scan3A_40 iter_args(%scan3A_100 = %broadcast_in_dim3A_37) -> (vector<16xi32>)  : i32 {
      %shift_right_arithmetic3A = arith.constant 5 : i32
      %shift_right_arithmetic3A_101 = arith.shrsi %scan3A_99, %shift_right_arithmetic3A : i32
      %and3A_102 = arith.constant 31 : i32
      %and3A_103 = arith.andi %scan3A_99, %and3A_102 : i32
      %mul3A_104 = arith.constant 16 : i32
      %mul3A_105 = arith.muli %and3A_103, %mul3A_104 : i32
      %get3A = arith.index_cast %shift_right_arithmetic3A_101 : i32 to index
      %get3A_106 = arith.index_cast %mul3A_105 : i32 to index
      %get3A_107 = tpu.vector_load %arg5[%get3A, %get3A_106] {strides = array<i32>} : memref<64x512xi32, #tpu.memory_space<vmem>>, vector<16xi32>,
      %broadcast_in_dim3A_108 = arith.constant true
      %broadcast_in_dim3A_109 = vector.broadcast %broadcast_in_dim3A_108 : i1 to vector<16xi1>
      %unique3A, %unique3A_110 = tpu.scan_count mask(%broadcast_in_dim3A_109 : vector<16xi1>) value(%get3A_107 : vector<16xi32>) : vector<16xi1>, vector<16xi32>
      %mul3A_111 = arith.constant 1024 : i32
      %mul3A_112 = vector.broadcast %mul3A_111 : i32 to vector<16xi32>
      %mul3A_113 = arith.muli %unique3A_110, %mul3A_112 : vector<16xi32>
      %add3A_114 = arith.addi %mul3A_113, %get3A_107 : vector<16xi32>
      %swap3A = arith.index_cast %shift_right_arithmetic3A_101 : i32 to index
      %swap3A_115 = arith.index_cast %mul3A_105 : i32 to index
      %swap3A_116 = tpu.vector_load %arg5[%swap3A, %swap3A_115] {strides = array<i32>} : memref<64x512xi32, #tpu.memory_space<vmem>>, vector<16xi32>,
      tpu.vector_store %arg5[%swap3A, %swap3A_115], %add3A_114 {strides = array<i32>} : memref<64x512xi32, #tpu.memory_space<vmem>>, vector<16xi32>,
      %max3A = arith.maxsi %scan3A_100, %unique3A_110 : vector<16xi32>
      scf.yield %max3A : vector<16xi32>
    }
    %scan3A_42 = arith.constant 2048 : i32
    %reduce_max3A = arith.constant true
    %reduce_max3A_43 = vector.broadcast %reduce_max3A : i1 to vector<16xi1>
    %reduce_max3A_44 = arith.constant -2147483648 : i32
    %reduce_max3A_45 = vector.broadcast %reduce_max3A_44 : i32 to vector<16xi32>
    %reduce_max3A_46 = arith.xori %scan3A_41, %reduce_max3A_45 : vector<16xi32>
    %reduce_max3A_47 = tpu.scan <max>, %reduce_max3A_46 masked %reduce_max3A_43 : vector<16xi32>, vector<16xi1> -> vector<16xi32>
    %reduce_max3A_48 = arith.xori %reduce_max3A_47, %reduce_max3A_45 : vector<16xi32>
    %reduce_max3A_49 = vector.extract %reduce_max3A_48[15] : i32 from vector<16xi32>
    %add3A_50 = arith.constant 1 : i32
    %add3A_51 = arith.addi %reduce_max3A_49, %add3A_50 : i32
    %mul3A_52 = arith.constant 96 : i32
    %mul3A_53 = arith.muli %select_n3A, %mul3A_52 : i32
    %add3A_54 = arith.constant 0 : i32
    %add3A_55 = arith.addi %mul3A_53, %add3A_54 : i32
    %add3A_56 = arith.constant 0 : i32
    %add3A_57 = arith.addi %add3A_55, %add3A_56 : i32
    %add3A_58 = arith.constant 0 : i32
    %add3A_59 = arith.addi %mul3A_32, %add3A_58 : i32
    %dma_start3A = arith.constant 0 : i32
    %dma_start3A_60 = tpu.memref_slice %arg2[%add3A_57, %add3A_59, %dma_start3A] : memref<384x512x512xf32, #tpu.memory_space<hbm>> -> memref<1x8x512xf32, #tpu.memory_space<hbm>>
    %dma_start3A_61 = tpu.memref_squeeze %dma_start3A_60 : memref<1x8x512xf32, #tpu.memory_space<hbm>> -> memref<8x512xf32, #tpu.memory_space<hbm>>
    %dma_start3A_62 = arith.constant 0 : i32
    %dma_start3A_63 = tpu.memref_slice %arg2[%add3A_57, %add3A_59, %dma_start3A_62] : memref<384x512x512xf32, #tpu.memory_space<hbm>> -> memref<1x8x512xf32, #tpu.memory_space<hbm>>
    %dma_start3A_64 = tpu.memref_squeeze %dma_start3A_63 : memref<1x8x512xf32, #tpu.memory_space<hbm>> -> memref<8x512xf32, #tpu.memory_space<hbm>>
    tpu.enqueue_dma source(%dma_start3A_64 : memref<8x512xf32, #tpu.memory_space<hbm>>) target(%arg6 : memref<8x512xf32, #tpu.memory_space<vmem>>) target_semaphore(%arg18 : memref<!tpu.dma_semaphore, #tpu.memory_space<semaphore_mem>>)
    %mul3A_65 = arith.constant 96 : i32
    %mul3A_66 = arith.muli %select_n3A, %mul3A_65 : i32
    %add3A_67 = arith.constant 0 : i32
    %add3A_68 = arith.addi %mul3A_66, %add3A_67 : i32
    %add3A_69 = arith.constant 1 : i32
    %add3A_70 = arith.addi %add3A_68, %add3A_69 : i32
    %add3A_71 = arith.constant 0 : i32
    %add3A_72 = arith.addi %mul3A_32, %add3A_71 : i32
    %dma_start3A_73 = arith.constant 0 : i32
    %dma_start3A_74 = tpu.memref_slice %arg2[%add3A_70, %add3A_72, %dma_start3A_73] : memref<384x512x512xf32, #tpu.memory_space<hbm>> -> memref<1x8x512xf32, #tpu.memory_space<hbm>>
    %dma_start3A_75 = tpu.memref_squeeze %dma_start3A_74 : memref<1x8x512xf32, #tpu.memory_space<hbm>> -> memref<8x512xf32, #tpu.memory_space<hbm>>
    %dma_start3A_76 = arith.constant 0 : i32
    %dma_start3A_77 = tpu.memref_slice %arg2[%add3A_70, %add3A_72, %dma_start3A_76] : memref<384x512x512xf32, #tpu.memory_space<hbm>> -> memref<1x8x512xf32, #tpu.memory_space<hbm>>
    %dma_start3A_78 = tpu.memref_squeeze %dma_start3A_77 : memref<1x8x512xf32, #tpu.memory_space<hbm>> -> memref<8x512xf32, #tpu.memory_space<hbm>>
    tpu.enqueue_dma source(%dma_start3A_78 : memref<8x512xf32, #tpu.memory_space<hbm>>) target(%arg8 : memref<8x512xf32, #tpu.memory_space<vmem>>) target_semaphore(%arg20 : memref<!tpu.dma_semaphore, #tpu.memory_space<semaphore_mem>>)
    %mul3A_79 = arith.constant 96 : i32
    %mul3A_80 = arith.muli %select_n3A, %mul3A_79 : i32
    %add3A_81 = arith.constant 0 : i32
    %add3A_82 = arith.addi %mul3A_80, %add3A_81 : i32
    %add3A_83 = arith.constant 2 : i32
    %add3A_84 = arith.addi %add3A_82, %add3A_83 : i32
    %add3A_85 = arith.constant 0 : i32
    %add3A_86 = arith.addi %mul3A_32, %add3A_85 : i32
    %dma_start3A_87 = arith.constant 0 : i32
    %dma_start3A_88 = tpu.memref_slice %arg2[%add3A_84, %add3A_86, %dma_start3A_87] : memref<384x512x512xf32, #tpu.memory_space<hbm>> -> memref<1x8x512xf32, #tpu.memory_space<hbm>>
    %dma_start3A_89 = tpu.memref_squeeze %dma_start3A_88 : memref<1x8x512xf32, #tpu.memory_space<hbm>> -> memref<8x512xf32, #tpu.memory_space<hbm>>
    %dma_start3A_90 = arith.constant 0 : i32
    %dma_start3A_91 = tpu.memref_slice %arg2[%add3A_84, %add3A_86, %dma_start3A_90] : memref<384x512x512xf32, #tpu.memory_space<hbm>> -> memref<1x8x512xf32, #tpu.memory_space<hbm>>
    %dma_start3A_92 = tpu.memref_squeeze %dma_start3A_91 : memref<1x8x512xf32, #tpu.memory_space<hbm>> -> memref<8x512xf32, #tpu.memory_space<hbm>>
    tpu.enqueue_dma source(%dma_start3A_92 : memref<8x512xf32, #tpu.memory_space<hbm>>) target(%arg10 : memref<8x512xf32, #tpu.memory_space<vmem>>) target_semaphore(%arg22 : memref<!tpu.dma_semaphore, #tpu.memory_space<semaphore_mem>>)
    %scan3A_93 = arith.constant 0 : i32
    %scan3A_94 = arith.constant 0 : i32
    %scan3A_95 = arith.constant 32 : i32
    %scan3A_96 = arith.addi %scan3A_94, %scan3A_95 : i32
    %scan3A_97 = arith.constant 1 : i32
    scf.for %scan3A_99 = %scan3A_94 to %scan3A_96 step %scan3A_97  : i32 {
      %mul3A_100 = arith.constant 3 : i32
      %mul3A_101 = arith.muli %mul3A_100, %scan3A_99 : i32
      %scan3A_102 = arith.constant 0 : i32
      %scan3A_103 = arith.constant 0 : i32
      %scan3A_104 = arith.constant 4 : i32
      %scan3A_105 = arith.addi %scan3A_103, %scan3A_104 : i32
      %scan3A_106 = arith.constant 1 : i32
      scf.for %scan3A_150 = %scan3A_103 to %scan3A_105 step %scan3A_106  : i32 {
        %mul3A_151 = arith.constant 2 : i32
        %mul3A_152 = arith.muli %mul3A_151, %scan3A_150 : i32
        %mul3A_153 = arith.constant 96 : i32
        %mul3A_154 = arith.muli %select_n3A, %mul3A_153 : i32
        %add3A_155 = arith.addi %mul3A_154, %mul3A_101 : i32
        %add3A_156 = arith.constant 0 : i32
        %add3A_157 = arith.addi %add3A_155, %add3A_156 : i32
        %mul3A_158 = arith.constant 8 : i32
        %mul3A_159 = arith.muli %mul3A_152, %mul3A_158 : i32
        %add3A_160 = arith.addi %mul3A_32, %mul3A_159 : i32
        %dma_wait3A = arith.constant 0 : i32
        %dma_wait3A_161 = tpu.memref_slice %arg2[%add3A_157, %add3A_160, %dma_wait3A] : memref<384x512x512xf32, #tpu.memory_space<hbm>> -> memref<1x8x512xf32, #tpu.memory_space<hbm>>
        %dma_wait3A_162 = tpu.memref_squeeze %dma_wait3A_161 : memref<1x8x512xf32, #tpu.memory_space<hbm>> -> memref<8x512xf32, #tpu.memory_space<hbm>>
        %dma_wait3A_163 = arith.constant 0 : i32
        %dma_wait3A_164 = tpu.memref_slice %arg2[%add3A_157, %add3A_160, %dma_wait3A_163] : memref<384x512x512xf32, #tpu.memory_space<hbm>> -> memref<1x8x512xf32, #tpu.memory_space<hbm>>
        %dma_wait3A_165 = tpu.memref_squeeze %dma_wait3A_164 : memref<1x8x512xf32, #tpu.memory_space<hbm>> -> memref<8x512xf32, #tpu.memory_space<hbm>>
        tpu.wait_dma2 semaphore(%arg18 : memref<!tpu.dma_semaphore, #tpu.memory_space<semaphore_mem>>) src(%dma_wait3A_165 : memref<8x512xf32, #tpu.memory_space<hbm>>) dst(%arg6 : memref<8x512xf32, #tpu.memory_space<vmem>>)
        %mul3A_166 = arith.constant 96 : i32
        %mul3A_167 = arith.muli %select_n3A, %mul3A_166 : i32
        %add3A_168 = arith.addi %mul3A_167, %mul3A_101 : i32
        %add3A_169 = arith.constant 1 : i32
        %add3A_170 = arith.addi %add3A_168, %add3A_169 : i32
        %mul3A_171 = arith.constant 8 : i32
        %mul3A_172 = arith.muli %mul3A_152, %mul3A_171 : i32
        %add3A_173 = arith.addi %mul3A_32, %mul3A_172 : i32
        %dma_wait3A_174 = arith.constant 0 : i32
        %dma_wait3A_175 = tpu.memref_slice %arg2[%add3A_170, %add3A_173, %dma_wait3A_174] : memref<384x512x512xf32, #tpu.memory_space<hbm>> -> memref<1x8x512xf32, #tpu.memory_space<hbm>>
        %dma_wait3A_176 = tpu.memref_squeeze %dma_wait3A_175 : memref<1x8x512xf32, #tpu.memory_space<hbm>> -> memref<8x512xf32, #tpu.memory_space<hbm>>
        %dma_wait3A_177 = arith.constant 0 : i32
        %dma_wait3A_178 = tpu.memref_slice %arg2[%add3A_170, %add3A_173, %dma_wait3A_177] : memref<384x512x512xf32, #tpu.memory_space<hbm>> -> memref<1x8x512xf32, #tpu.memory_space<hbm>>
        %dma_wait3A_179 = tpu.memref_squeeze %dma_wait3A_178 : memref<1x8x512xf32, #tpu.memory_space<hbm>> -> memref<8x512xf32, #tpu.memory_space<hbm>>
        tpu.wait_dma2 semaphore(%arg20 : memref<!tpu.dma_semaphore, #tpu.memory_space<semaphore_mem>>) src(%dma_wait3A_179 : memref<8x512xf32, #tpu.memory_space<hbm>>) dst(%arg8 : memref<8x512xf32, #tpu.memory_space<vmem>>)
        %mul3A_180 = arith.constant 96 : i32
        %mul3A_181 = arith.muli %select_n3A, %mul3A_180 : i32
        %add3A_182 = arith.addi %mul3A_181, %mul3A_101 : i32
        %add3A_183 = arith.constant 2 : i32
        %add3A_184 = arith.addi %add3A_182, %add3A_183 : i32
        %mul3A_185 = arith.constant 8 : i32
        %mul3A_186 = arith.muli %mul3A_152, %mul3A_185 : i32
        %add3A_187 = arith.addi %mul3A_32, %mul3A_186 : i32
        %dma_wait3A_188 = arith.constant 0 : i32
        %dma_wait3A_189 = tpu.memref_slice %arg2[%add3A_184, %add3A_187, %dma_wait3A_188] : memref<384x512x512xf32, #tpu.memory_space<hbm>> -> memref<1x8x512xf32, #tpu.memory_space<hbm>>
        %dma_wait3A_190 = tpu.memref_squeeze %dma_wait3A_189 : memref<1x8x512xf32, #tpu.memory_space<hbm>> -> memref<8x512xf32, #tpu.memory_space<hbm>>
        %dma_wait3A_191 = arith.constant 0 : i32
        %dma_wait3A_192 = tpu.memref_slice %arg2[%add3A_184, %add3A_187, %dma_wait3A_191] : memref<384x512x512xf32, #tpu.memory_space<hbm>> -> memref<1x8x512xf32, #tpu.memory_space<hbm>>
        %dma_wait3A_193 = tpu.memref_squeeze %dma_wait3A_192 : memref<1x8x512xf32, #tpu.memory_space<hbm>> -> memref<8x512xf32, #tpu.memory_space<hbm>>
        tpu.wait_dma2 semaphore(%arg22 : memref<!tpu.dma_semaphore, #tpu.memory_space<semaphore_mem>>) src(%dma_wait3A_193 : memref<8x512xf32, #tpu.memory_space<hbm>>) dst(%arg10 : memref<8x512xf32, #tpu.memory_space<vmem>>)
        %add3A_194 = arith.constant 1 : i32
        %add3A_195 = arith.addi %mul3A_152, %add3A_194 : i32
        %mul3A_196 = arith.constant 96 : i32
        %mul3A_197 = arith.muli %select_n3A, %mul3A_196 : i32
        %add3A_198 = arith.addi %mul3A_197, %mul3A_101 : i32
        %add3A_199 = arith.constant 0 : i32
        %add3A_200 = arith.addi %add3A_198, %add3A_199 : i32
        %mul3A_201 = arith.constant 8 : i32
        %mul3A_202 = arith.muli %add3A_195, %mul3A_201 : i32
        %add3A_203 = arith.addi %mul3A_32, %mul3A_202 : i32
        %dma_start3A_204 = arith.constant 0 : i32
        %dma_start3A_205 = tpu.memref_slice %arg2[%add3A_200, %add3A_203, %dma_start3A_204] : memref<384x512x512xf32, #tpu.memory_space<hbm>> -> memref<1x8x512xf32, #tpu.memory_space<hbm>>
        %dma_start3A_206 = tpu.memref_squeeze %dma_start3A_205 : memref<1x8x512xf32, #tpu.memory_space<hbm>> -> memref<8x512xf32, #tpu.memory_space<hbm>>
        %dma_start3A_207 = arith.constant 0 : i32
        %dma_start3A_208 = tpu.memref_slice %arg2[%add3A_200, %add3A_203, %dma_start3A_207] : memref<384x512x512xf32, #tpu.memory_space<hbm>> -> memref<1x8x512xf32, #tpu.memory_space<hbm>>
        %dma_start3A_209 = tpu.memref_squeeze %dma_start3A_208 : memref<1x8x512xf32, #tpu.memory_space<hbm>> -> memref<8x512xf32, #tpu.memory_space<hbm>>
        tpu.enqueue_dma source(%dma_start3A_209 : memref<8x512xf32, #tpu.memory_space<hbm>>) target(%arg7 : memref<8x512xf32, #tpu.memory_space<vmem>>) target_semaphore(%arg19 : memref<!tpu.dma_semaphore, #tpu.memory_space<semaphore_mem>>)
        %mul3A_210 = arith.constant 96 : i32
        %mul3A_211 = arith.muli %select_n3A, %mul3A_210 : i32
        %add3A_212 = arith.addi %mul3A_211, %mul3A_101 : i32
        %add3A_213 = arith.constant 1 : i32
        %add3A_214 = arith.addi %add3A_212, %add3A_213 : i32
        %mul3A_215 = arith.constant 8 : i32
        %mul3A_216 = arith.muli %add3A_195, %mul3A_215 : i32
        %add3A_217 = arith.addi %mul3A_32, %mul3A_216 : i32
        %dma_start3A_218 = arith.constant 0 : i32
        %dma_start3A_219 = tpu.memref_slice %arg2[%add3A_214, %add3A_217, %dma_start3A_218] : memref<384x512x512xf32, #tpu.memory_space<hbm>> -> memref<1x8x512xf32, #tpu.memory_space<hbm>>
        %dma_start3A_220 = tpu.memref_squeeze %dma_start3A_219 : memref<1x8x512xf32, #tpu.memory_space<hbm>> -> memref<8x512xf32, #tpu.memory_space<hbm>>
        %dma_start3A_221 = arith.constant 0 : i32
        %dma_start3A_222 = tpu.memref_slice %arg2[%add3A_214, %add3A_217, %dma_start3A_221] : memref<384x512x512xf32, #tpu.memory_space<hbm>> -> memref<1x8x512xf32, #tpu.memory_space<hbm>>
        %dma_start3A_223 = tpu.memref_squeeze %dma_start3A_222 : memref<1x8x512xf32, #tpu.memory_space<hbm>> -> memref<8x512xf32, #tpu.memory_space<hbm>>
        tpu.enqueue_dma source(%dma_start3A_223 : memref<8x512xf32, #tpu.memory_space<hbm>>) target(%arg9 : memref<8x512xf32, #tpu.memory_space<vmem>>) target_semaphore(%arg21 : memref<!tpu.dma_semaphore, #tpu.memory_space<semaphore_mem>>)
        %mul3A_224 = arith.constant 96 : i32
        %mul3A_225 = arith.muli %select_n3A, %mul3A_224 : i32
        %add3A_226 = arith.addi %mul3A_225, %mul3A_101 : i32
        %add3A_227 = arith.constant 2 : i32
        %add3A_228 = arith.addi %add3A_226, %add3A_227 : i32
        %mul3A_229 = arith.constant 8 : i32
        %mul3A_230 = arith.muli %add3A_195, %mul3A_229 : i32
        %add3A_231 = arith.addi %mul3A_32, %mul3A_230 : i32
        %dma_start3A_232 = arith.constant 0 : i32
        %dma_start3A_233 = tpu.memref_slice %arg2[%add3A_228, %add3A_231, %dma_start3A_232] : memref<384x512x512xf32, #tpu.memory_space<hbm>> -> memref<1x8x512xf32, #tpu.memory_space<hbm>>
        %dma_start3A_234 = tpu.memref_squeeze %dma_start3A_233 : memref<1x8x512xf32, #tpu.memory_space<hbm>> -> memref<8x512xf32, #tpu.memory_space<hbm>>
        %dma_start3A_235 = arith.constant 0 : i32
        %dma_start3A_236 = tpu.memref_slice %arg2[%add3A_228, %add3A_231, %dma_start3A_235] : memref<384x512x512xf32, #tpu.memory_space<hbm>> -> memref<1x8x512xf32, #tpu.memory_space<hbm>>
        %dma_start3A_237 = tpu.memref_squeeze %dma_start3A_236 : memref<1x8x512xf32, #tpu.memory_space<hbm>> -> memref<8x512xf32, #tpu.memory_space<hbm>>
        tpu.enqueue_dma source(%dma_start3A_237 : memref<8x512xf32, #tpu.memory_space<hbm>>) target(%arg11 : memref<8x512xf32, #tpu.memory_space<vmem>>) target_semaphore(%arg23 : memref<!tpu.dma_semaphore, #tpu.memory_space<semaphore_mem>>)
        %scan3A_238 = arith.constant 0 : i32
        %scan3A_239 = arith.constant 0 : i32
        %scan3A_240 = arith.constant 64 : i32
        %scan3A_241 = arith.addi %scan3A_239, %scan3A_240 : i32
        %scan3A_242 = arith.constant 1 : i32
        scf.for %scan3A_313 = %scan3A_239 to %scan3A_241 step %scan3A_242  : i32 {
          %jit3A_314 = arith.constant 8 : i32
          %div3A_315 = arith.divsi %scan3A_313, %jit3A_314 : i32
          %sign3A_316 = arith.constant 0 : i32
          %sign3A_317 = arith.cmpi sgt, %scan3A_313, %sign3A_316 : i32
          %sign3A_318 = arith.extui %sign3A_317 : i1 to i32
          %sign3A_319 = arith.constant 0 : i32
          %sign3A_320 = arith.cmpi slt, %scan3A_313, %sign3A_319 : i32
          %sign3A_321 = arith.extui %sign3A_320 : i1 to i32
          %sign3A_322 = arith.subi %sign3A_318, %sign3A_321 : i32
          %sign3A_323 = arith.constant 0 : i32
          %sign3A_324 = arith.cmpi sgt, %jit3A_314, %sign3A_323 : i32
          %sign3A_325 = arith.extui %sign3A_324 : i1 to i32
          %sign3A_326 = arith.constant 0 : i32
          %sign3A_327 = arith.cmpi slt, %jit3A_314, %sign3A_326 : i32
          %sign3A_328 = arith.extui %sign3A_327 : i1 to i32
          %sign3A_329 = arith.subi %sign3A_325, %sign3A_328 : i32
          %ne3A_330 = arith.cmpi ne, %sign3A_322, %sign3A_329 : i32
          %rem3A_331 = arith.remsi %scan3A_313, %jit3A_314 : i32
          %ne3A_332 = arith.constant 0 : i32
          %ne3A_333 = arith.cmpi ne, %rem3A_331, %ne3A_332 : i32
          %and3A_334 = arith.andi %ne3A_330, %ne3A_333 : i1
          %sub3A_335 = arith.constant 1 : i32
          %sub3A_336 = arith.subi %div3A_315, %sub3A_335 : i32
          %select_n3A_337 = arith.select %and3A_334, %sub3A_336, %div3A_315 : i32
          %jit3A_338 = arith.constant 8 : i32
          %eq3A_339 = arith.constant 0 : i32
          %eq3A_340 = arith.cmpi eq, %jit3A_338, %eq3A_339 : i32
          %jit3A_341 = arith.constant 1 : i32
          %select_n3A_342 = arith.select %eq3A_340, %jit3A_341, %jit3A_338 : i32
          %rem3A_343 = arith.remsi %scan3A_313, %select_n3A_342 : i32
          %ne3A_344 = arith.constant 0 : i32
          %ne3A_345 = arith.cmpi ne, %rem3A_343, %ne3A_344 : i32
          %lt3A_346 = arith.constant 0 : i32
          %lt3A_347 = arith.cmpi slt, %rem3A_343, %lt3A_346 : i32
          %lt3A_348 = arith.constant 0 : i32
          %lt3A_349 = arith.cmpi slt, %select_n3A_342, %lt3A_348 : i32
          %ne3A_350 = arith.xori %lt3A_347, %lt3A_349 : i1
          %and3A_351 = arith.andi %ne3A_350, %ne3A_345 : i1
          %add3A_352 = arith.addi %rem3A_343, %select_n3A_342 : i32
          %select_n3A_353 = arith.select %and3A_351, %add3A_352, %rem3A_343 : i32
          %mul3A_354 = arith.constant 64 : i32
          %mul3A_355 = arith.muli %select_n3A_353, %mul3A_354 : i32
          %mul3A_356 = arith.constant 8 : i32
          %mul3A_357 = arith.muli %mul3A_152, %mul3A_356 : i32
          %add3A_358 = arith.addi %mul3A_357, %select_n3A_337 : i32
          %add3A_359 = arith.constant 0 : i32
          %add3A_360 = arith.addi %mul3A_355, %add3A_359 : i32
          %get3A = arith.index_cast %add3A_358 : i32 to index
          %get3A_361 = arith.index_cast %add3A_360 : i32 to index
          %get3A_362 = tpu.vector_load %arg5[%get3A, %get3A_361] {strides = array<i32>} : memref<64x512xi32, #tpu.memory_space<vmem>>, vector<16xi32>,
          %add3A_363 = arith.constant 16 : i32
          %add3A_364 = arith.addi %mul3A_355, %add3A_363 : i32
          %get3A_365 = arith.index_cast %add3A_358 : i32 to index
          %get3A_366 = arith.index_cast %add3A_364 : i32 to index
          %get3A_367 = tpu.vector_load %arg5[%get3A_365, %get3A_366] {strides = array<i32>} : memref<64x512xi32, #tpu.memory_space<vmem>>, vector<16xi32>,
          %add3A_368 = arith.constant 32 : i32
          %add3A_369 = arith.addi %mul3A_355, %add3A_368 : i32
          %get3A_370 = arith.index_cast %add3A_358 : i32 to index
          %get3A_371 = arith.index_cast %add3A_369 : i32 to index
          %get3A_372 = tpu.vector_load %arg5[%get3A_370, %get3A_371] {strides = array<i32>} : memref<64x512xi32, #tpu.memory_space<vmem>>, vector<16xi32>,
          %add3A_373 = arith.constant 48 : i32
          %add3A_374 = arith.addi %mul3A_355, %add3A_373 : i32
          %get3A_375 = arith.index_cast %add3A_358 : i32 to index
          %get3A_376 = arith.index_cast %add3A_374 : i32 to index
          %get3A_377 = tpu.vector_load %arg5[%get3A_375, %get3A_376] {strides = array<i32>} : memref<64x512xi32, #tpu.memory_space<vmem>>, vector<16xi32>,
          %add3A_378 = arith.constant 0 : i32
          %add3A_379 = arith.addi %mul3A_355, %add3A_378 : i32
          %get3A_380 = arith.index_cast %select_n3A_337 : i32 to index
          %get3A_381 = arith.index_cast %add3A_379 : i32 to index
          %get3A_382 = tpu.vector_load %arg6[%get3A_380, %get3A_381] {strides = array<i32>} : memref<8x512xf32, #tpu.memory_space<vmem>>, vector<16xf32>,
          %add3A_383 = arith.constant 0 : i32
          %add3A_384 = arith.addi %mul3A_355, %add3A_383 : i32
          %get3A_385 = arith.index_cast %select_n3A_337 : i32 to index
          %get3A_386 = arith.index_cast %add3A_384 : i32 to index
          %get3A_387 = tpu.vector_load %arg8[%get3A_385, %get3A_386] {strides = array<i32>} : memref<8x512xf32, #tpu.memory_space<vmem>>, vector<16xf32>,
          %add3A_388 = arith.constant 0 : i32
          %add3A_389 = arith.addi %mul3A_355, %add3A_388 : i32
          %get3A_390 = arith.index_cast %select_n3A_337 : i32 to index
          %get3A_391 = arith.index_cast %add3A_389 : i32 to index
          %get3A_392 = tpu.vector_load %arg10[%get3A_390, %get3A_391] {strides = array<i32>} : memref<8x512xf32, #tpu.memory_space<vmem>>, vector<16xf32>,
          %add3A_393 = arith.constant 16 : i32
          %add3A_394 = arith.addi %mul3A_355, %add3A_393 : i32
          %get3A_395 = arith.index_cast %select_n3A_337 : i32 to index
          %get3A_396 = arith.index_cast %add3A_394 : i32 to index
          %get3A_397 = tpu.vector_load %arg6[%get3A_395, %get3A_396] {strides = array<i32>} : memref<8x512xf32, #tpu.memory_space<vmem>>, vector<16xf32>,
          %add3A_398 = arith.constant 16 : i32
          %add3A_399 = arith.addi %mul3A_355, %add3A_398 : i32
          %get3A_400 = arith.index_cast %select_n3A_337 : i32 to index
          %get3A_401 = arith.index_cast %add3A_399 : i32 to index
          %get3A_402 = tpu.vector_load %arg8[%get3A_400, %get3A_401] {strides = array<i32>} : memref<8x512xf32, #tpu.memory_space<vmem>>, vector<16xf32>,
          %add3A_403 = arith.constant 16 : i32
          %add3A_404 = arith.addi %mul3A_355, %add3A_403 : i32
          %get3A_405 = arith.index_cast %select_n3A_337 : i32 to index
          %get3A_406 = arith.index_cast %add3A_404 : i32 to index
          %get3A_407 = tpu.vector_load %arg10[%get3A_405, %get3A_406] {strides = array<i32>} : memref<8x512xf32, #tpu.memory_space<vmem>>, vector<16xf32>,
          %add3A_408 = arith.constant 32 : i32
          %add3A_409 = arith.addi %mul3A_355, %add3A_408 : i32
          %get3A_410 = arith.index_cast %select_n3A_337 : i32 to index
          %get3A_411 = arith.index_cast %add3A_409 : i32 to index
          %get3A_412 = tpu.vector_load %arg6[%get3A_410, %get3A_411] {strides = array<i32>} : memref<8x512xf32, #tpu.memory_space<vmem>>, vector<16xf32>,
          %add3A_413 = arith.constant 32 : i32
          %add3A_414 = arith.addi %mul3A_355, %add3A_413 : i32
          %get3A_415 = arith.index_cast %select_n3A_337 : i32 to index
          %get3A_416 = arith.index_cast %add3A_414 : i32 to index
          %get3A_417 = tpu.vector_load %arg8[%get3A_415, %get3A_416] {strides = array<i32>} : memref<8x512xf32, #tpu.memory_space<vmem>>, vector<16xf32>,
          %add3A_418 = arith.constant 32 : i32
          %add3A_419 = arith.addi %mul3A_355, %add3A_418 : i32
          %get3A_420 = arith.index_cast %select_n3A_337 : i32 to index
          %get3A_421 = arith.index_cast %add3A_419 : i32 to index
          %get3A_422 = tpu.vector_load %arg10[%get3A_420, %get3A_421] {strides = array<i32>} : memref<8x512xf32, #tpu.memory_space<vmem>>, vector<16xf32>,
          %add3A_423 = arith.constant 48 : i32
          %add3A_424 = arith.addi %mul3A_355, %add3A_423 : i32
          %get3A_425 = arith.index_cast %select_n3A_337 : i32 to index
          %get3A_426 = arith.index_cast %add3A_424 : i32 to index
          %get3A_427 = tpu.vector_load %arg6[%get3A_425, %get3A_426] {strides = array<i32>} : memref<8x512xf32, #tpu.memory_space<vmem>>, vector<16xf32>,
          %add3A_428 = arith.constant 48 : i32
          %add3A_429 = arith.addi %mul3A_355, %add3A_428 : i32
          %get3A_430 = arith.index_cast %select_n3A_337 : i32 to index
          %get3A_431 = arith.index_cast %add3A_429 : i32 to index
          %get3A_432 = tpu.vector_load %arg8[%get3A_430, %get3A_431] {strides = array<i32>} : memref<8x512xf32, #tpu.memory_space<vmem>>, vector<16xf32>,
          %add3A_433 = arith.constant 48 : i32
          %add3A_434 = arith.addi %mul3A_355, %add3A_433 : i32
          %get3A_435 = arith.index_cast %select_n3A_337 : i32 to index
          %get3A_436 = arith.index_cast %add3A_434 : i32 to index
          %get3A_437 = tpu.vector_load %arg10[%get3A_435, %get3A_436] {strides = array<i32>} : memref<8x512xf32, #tpu.memory_space<vmem>>, vector<16xf32>,
          %gather3A = tpu.vector_load_idx %arg12[%get3A_362] : memref<17408xf32, #tpu.memory_space<vmem>>[vector<16xi32>], vector<16xf32>,
          %gather3A_438 = tpu.vector_load_idx %arg13[%get3A_362] : memref<17408xf32, #tpu.memory_space<vmem>>[vector<16xi32>], vector<16xf32>,
          %gather3A_439 = tpu.vector_load_idx %arg14[%get3A_362] : memref<17408xf32, #tpu.memory_space<vmem>>[vector<16xi32>], vector<16xf32>,
          %max3A = arith.maximumf %gather3A, %get3A_382 : vector<16xf32>
          %max3A_440 = arith.maximumf %gather3A_438, %get3A_387 : vector<16xf32>
          %max3A_441 = arith.maximumf %gather3A_439, %get3A_392 : vector<16xf32>
          tpu.vector_store_idx %arg12[%get3A_362], %max3A : memref<17408xf32, #tpu.memory_space<vmem>>[vector<16xi32>], vector<16xf32>,
          tpu.vector_store_idx %arg13[%get3A_362], %max3A_440 : memref<17408xf32, #tpu.memory_space<vmem>>[vector<16xi32>], vector<16xf32>,
          tpu.vector_store_idx %arg14[%get3A_362], %max3A_441 : memref<17408xf32, #tpu.memory_space<vmem>>[vector<16xi32>], vector<16xf32>,
          %gather3A_442 = tpu.vector_load_idx %arg12[%get3A_367] : memref<17408xf32, #tpu.memory_space<vmem>>[vector<16xi32>], vector<16xf32>,
          %gather3A_443 = tpu.vector_load_idx %arg13[%get3A_367] : memref<17408xf32, #tpu.memory_space<vmem>>[vector<16xi32>], vector<16xf32>,
          %gather3A_444 = tpu.vector_load_idx %arg14[%get3A_367] : memref<17408xf32, #tpu.memory_space<vmem>>[vector<16xi32>], vector<16xf32>,
          %max3A_445 = arith.maximumf %gather3A_442, %get3A_397 : vector<16xf32>
          %max3A_446 = arith.maximumf %gather3A_443, %get3A_402 : vector<16xf32>
          %max3A_447 = arith.maximumf %gather3A_444, %get3A_407 : vector<16xf32>
          tpu.vector_store_idx %arg12[%get3A_367], %max3A_445 : memref<17408xf32, #tpu.memory_space<vmem>>[vector<16xi32>], vector<16xf32>,
          tpu.vector_store_idx %arg13[%get3A_367], %max3A_446 : memref<17408xf32, #tpu.memory_space<vmem>>[vector<16xi32>], vector<16xf32>,
          tpu.vector_store_idx %arg14[%get3A_367], %max3A_447 : memref<17408xf32, #tpu.memory_space<vmem>>[vector<16xi32>], vector<16xf32>,
          %gather3A_448 = tpu.vector_load_idx %arg12[%get3A_372] : memref<17408xf32, #tpu.memory_space<vmem>>[vector<16xi32>], vector<16xf32>,
          %gather3A_449 = tpu.vector_load_idx %arg13[%get3A_372] : memref<17408xf32, #tpu.memory_space<vmem>>[vector<16xi32>], vector<16xf32>,
          %gather3A_450 = tpu.vector_load_idx %arg14[%get3A_372] : memref<17408xf32, #tpu.memory_space<vmem>>[vector<16xi32>], vector<16xf32>,
          %max3A_451 = arith.maximumf %gather3A_448, %get3A_412 : vector<16xf32>
          %max3A_452 = arith.maximumf %gather3A_449, %get3A_417 : vector<16xf32>
          %max3A_453 = arith.maximumf %gather3A_450, %get3A_422 : vector<16xf32>
          tpu.vector_store_idx %arg12[%get3A_372], %max3A_451 : memref<17408xf32, #tpu.memory_space<vmem>>[vector<16xi32>], vector<16xf32>,
          tpu.vector_store_idx %arg13[%get3A_372], %max3A_452 : memref<17408xf32, #tpu.memory_space<vmem>>[vector<16xi32>], vector<16xf32>,
          tpu.vector_store_idx %arg14[%get3A_372], %max3A_453 : memref<17408xf32, #tpu.memory_space<vmem>>[vector<16xi32>], vector<16xf32>,
          %gather3A_454 = tpu.vector_load_idx %arg12[%get3A_377] : memref<17408xf32, #tpu.memory_space<vmem>>[vector<16xi32>], vector<16xf32>,
          %gather3A_455 = tpu.vector_load_idx %arg13[%get3A_377] : memref<17408xf32, #tpu.memory_space<vmem>>[vector<16xi32>], vector<16xf32>,
          %gather3A_456 = tpu.vector_load_idx %arg14[%get3A_377] : memref<17408xf32, #tpu.memory_space<vmem>>[vector<16xi32>], vector<16xf32>,
          %max3A_457 = arith.maximumf %gather3A_454, %get3A_427 : vector<16xf32>
          %max3A_458 = arith.maximumf %gather3A_455, %get3A_432 : vector<16xf32>
          %max3A_459 = arith.maximumf %gather3A_456, %get3A_437 : vector<16xf32>
          tpu.vector_store_idx %arg12[%get3A_377], %max3A_457 : memref<17408xf32, #tpu.memory_space<vmem>>[vector<16xi32>], vector<16xf32>,
          tpu.vector_store_idx %arg13[%get3A_377], %max3A_458 : memref<17408xf32, #tpu.memory_space<vmem>>[vector<16xi32>], vector<16xf32>,
          tpu.vector_store_idx %arg14[%get3A_377], %max3A_459 : memref<17408xf32, #tpu.memory_space<vmem>>[vector<16xi32>], vector<16xf32>,
        }
        %scan3A_243 = arith.constant 64 : i32
        %add3A_244 = arith.constant 1 : i32
        %add3A_245 = arith.addi %mul3A_152, %add3A_244 : i32
        %mul3A_246 = arith.constant 96 : i32
        %mul3A_247 = arith.muli %select_n3A, %mul3A_246 : i32
        %add3A_248 = arith.addi %mul3A_247, %mul3A_101 : i32
        %add3A_249 = arith.constant 0 : i32
        %add3A_250 = arith.addi %add3A_248, %add3A_249 : i32
        %mul3A_251 = arith.constant 8 : i32
        %mul3A_252 = arith.muli %add3A_245, %mul3A_251 : i32
        %add3A_253 = arith.addi %mul3A_32, %mul3A_252 : i32
        %dma_wait3A_254 = arith.constant 0 : i32
        %dma_wait3A_255 = tpu.memref_slice %arg2[%add3A_250, %add3A_253, %dma_wait3A_254] : memref<384x512x512xf32, #tpu.memory_space<hbm>> -> memref<1x8x512xf32, #tpu.memory_space<hbm>>
        %dma_wait3A_256 = tpu.memref_squeeze %dma_wait3A_255 : memref<1x8x512xf32, #tpu.memory_space<hbm>> -> memref<8x512xf32, #tpu.memory_space<hbm>>
        %dma_wait3A_257 = arith.constant 0 : i32
        %dma_wait3A_258 = tpu.memref_slice %arg2[%add3A_250, %add3A_253, %dma_wait3A_257] : memref<384x512x512xf32, #tpu.memory_space<hbm>> -> memref<1x8x512xf32, #tpu.memory_space<hbm>>
        %dma_wait3A_259 = tpu.memref_squeeze %dma_wait3A_258 : memref<1x8x512xf32, #tpu.memory_space<hbm>> -> memref<8x512xf32, #tpu.memory_space<hbm>>
        tpu.wait_dma2 semaphore(%arg19 : memref<!tpu.dma_semaphore, #tpu.memory_space<semaphore_mem>>) src(%dma_wait3A_259 : memref<8x512xf32, #tpu.memory_space<hbm>>) dst(%arg7 : memref<8x512xf32, #tpu.memory_space<vmem>>)
        %mul3A_260 = arith.constant 96 : i32
        %mul3A_261 = arith.muli %select_n3A, %mul3A_260 : i32
        %add3A_262 = arith.addi %mul3A_261, %mul3A_101 : i32
        %add3A_263 = arith.constant 1 : i32
        %add3A_264 = arith.addi %add3A_262, %add3A_263 : i32
        %mul3A_265 = arith.constant 8 : i32
        %mul3A_266 = arith.muli %add3A_245, %mul3A_265 : i32
        %add3A_267 = arith.addi %mul3A_32, %mul3A_266 : i32
        %dma_wait3A_268 = arith.constant 0 : i32
        %dma_wait3A_269 = tpu.memref_slice %arg2[%add3A_264, %add3A_267, %dma_wait3A_268] : memref<384x512x512xf32, #tpu.memory_space<hbm>> -> memref<1x8x512xf32, #tpu.memory_space<hbm>>
        %dma_wait3A_270 = tpu.memref_squeeze %dma_wait3A_269 : memref<1x8x512xf32, #tpu.memory_space<hbm>> -> memref<8x512xf32, #tpu.memory_space<hbm>>
        %dma_wait3A_271 = arith.constant 0 : i32
        %dma_wait3A_272 = tpu.memref_slice %arg2[%add3A_264, %add3A_267, %dma_wait3A_271] : memref<384x512x512xf32, #tpu.memory_space<hbm>> -> memref<1x8x512xf32, #tpu.memory_space<hbm>>
        %dma_wait3A_273 = tpu.memref_squeeze %dma_wait3A_272 : memref<1x8x512xf32, #tpu.memory_space<hbm>> -> memref<8x512xf32, #tpu.memory_space<hbm>>
        tpu.wait_dma2 semaphore(%arg21 : memref<!tpu.dma_semaphore, #tpu.memory_space<semaphore_mem>>) src(%dma_wait3A_273 : memref<8x512xf32, #tpu.memory_space<hbm>>) dst(%arg9 : memref<8x512xf32, #tpu.memory_space<vmem>>)
        %mul3A_274 = arith.constant 96 : i32
        %mul3A_275 = arith.muli %select_n3A, %mul3A_274 : i32
        %add3A_276 = arith.addi %mul3A_275, %mul3A_101 : i32
        %add3A_277 = arith.constant 2 : i32
        %add3A_278 = arith.addi %add3A_276, %add3A_277 : i32
        %mul3A_279 = arith.constant 8 : i32
        %mul3A_280 = arith.muli %add3A_245, %mul3A_279 : i32
        %add3A_281 = arith.addi %mul3A_32, %mul3A_280 : i32
        %dma_wait3A_282 = arith.constant 0 : i32
        %dma_wait3A_283 = tpu.memref_slice %arg2[%add3A_278, %add3A_281, %dma_wait3A_282] : memref<384x512x512xf32, #tpu.memory_space<hbm>> -> memref<1x8x512xf32, #tpu.memory_space<hbm>>
        %dma_wait3A_284 = tpu.memref_squeeze %dma_wait3A_283 : memref<1x8x512xf32, #tpu.memory_space<hbm>> -> memref<8x512xf32, #tpu.memory_space<hbm>>
        %dma_wait3A_285 = arith.constant 0 : i32
        %dma_wait3A_286 = tpu.memref_slice %arg2[%add3A_278, %add3A_281, %dma_wait3A_285] : memref<384x512x512xf32, #tpu.memory_space<hbm>> -> memref<1x8x512xf32, #tpu.memory_space<hbm>>
        %dma_wait3A_287 = tpu.memref_squeeze %dma_wait3A_286 : memref<1x8x512xf32, #tpu.memory_space<hbm>> -> memref<8x512xf32, #tpu.memory_space<hbm>>
        tpu.wait_dma2 semaphore(%arg23 : memref<!tpu.dma_semaphore, #tpu.memory_space<semaphore_mem>>) src(%dma_wait3A_287 : memref<8x512xf32, #tpu.memory_space<hbm>>) dst(%arg11 : memref<8x512xf32, #tpu.memory_space<vmem>>)
        %add3A_288 = arith.constant 1 : i32
        %add3A_289 = arith.addi %scan3A_150, %add3A_288 : i32
        %lt3A_290 = arith.constant 4 : i32
        %lt3A_291 = arith.cmpi slt, %add3A_289, %lt3A_290 : i32
        %convert_element_type3A = arith.extui %lt3A_291 : i1 to i32
        %cond3A = arith.constant 0 : i32
        %cond3A_292 = arith.cmpi ne, %convert_element_type3A, %cond3A : i32
        scf.if %cond3A_292 {
          %add3A_313 = arith.constant 2 : i32
          %add3A_314 = arith.addi %mul3A_152, %add3A_313 : i32
          %mul3A_315 = arith.constant 96 : i32
          %mul3A_316 = arith.muli %select_n3A, %mul3A_315 : i32
          %add3A_317 = arith.addi %mul3A_316, %mul3A_101 : i32
          %add3A_318 = arith.constant 0 : i32
          %add3A_319 = arith.addi %add3A_317, %add3A_318 : i32
          %mul3A_320 = arith.constant 8 : i32
          %mul3A_321 = arith.muli %add3A_314, %mul3A_320 : i32
          %add3A_322 = arith.addi %mul3A_32, %mul3A_321 : i32
          %dma_start3A_323 = arith.constant 0 : i32
          %dma_start3A_324 = tpu.memref_slice %arg2[%add3A_319, %add3A_322, %dma_start3A_323] : memref<384x512x512xf32, #tpu.memory_space<hbm>> -> memref<1x8x512xf32, #tpu.memory_space<hbm>>
          %dma_start3A_325 = tpu.memref_squeeze %dma_start3A_324 : memref<1x8x512xf32, #tpu.memory_space<hbm>> -> memref<8x512xf32, #tpu.memory_space<hbm>>
          %dma_start3A_326 = arith.constant 0 : i32
          %dma_start3A_327 = tpu.memref_slice %arg2[%add3A_319, %add3A_322, %dma_start3A_326] : memref<384x512x512xf32, #tpu.memory_space<hbm>> -> memref<1x8x512xf32, #tpu.memory_space<hbm>>
          %dma_start3A_328 = tpu.memref_squeeze %dma_start3A_327 : memref<1x8x512xf32, #tpu.memory_space<hbm>> -> memref<8x512xf32, #tpu.memory_space<hbm>>
          tpu.enqueue_dma source(%dma_start3A_328 : memref<8x512xf32, #tpu.memory_space<hbm>>) target(%arg6 : memref<8x512xf32, #tpu.memory_space<vmem>>) target_semaphore(%arg18 : memref<!tpu.dma_semaphore, #tpu.memory_space<semaphore_mem>>)
          %mul3A_329 = arith.constant 96 : i32
          %mul3A_330 = arith.muli %select_n3A, %mul3A_329 : i32
          %add3A_331 = arith.addi %mul3A_330, %mul3A_101 : i32
          %add3A_332 = arith.constant 1 : i32
          %add3A_333 = arith.addi %add3A_331, %add3A_332 : i32
          %mul3A_334 = arith.constant 8 : i32
          %mul3A_335 = arith.muli %add3A_314, %mul3A_334 : i32
          %add3A_336 = arith.addi %mul3A_32, %mul3A_335 : i32
          %dma_start3A_337 = arith.constant 0 : i32
          %dma_start3A_338 = tpu.memref_slice %arg2[%add3A_333, %add3A_336, %dma_start3A_337] : memref<384x512x512xf32, #tpu.memory_space<hbm>> -> memref<1x8x512xf32, #tpu.memory_space<hbm>>
          %dma_start3A_339 = tpu.memref_squeeze %dma_start3A_338 : memref<1x8x512xf32, #tpu.memory_space<hbm>> -> memref<8x512xf32, #tpu.memory_space<hbm>>
          %dma_start3A_340 = arith.constant 0 : i32
          %dma_start3A_341 = tpu.memref_slice %arg2[%add3A_333, %add3A_336, %dma_start3A_340] : memref<384x512x512xf32, #tpu.memory_space<hbm>> -> memref<1x8x512xf32, #tpu.memory_space<hbm>>
          %dma_start3A_342 = tpu.memref_squeeze %dma_start3A_341 : memref<1x8x512xf32, #tpu.memory_space<hbm>> -> memref<8x512xf32, #tpu.memory_space<hbm>>
          tpu.enqueue_dma source(%dma_start3A_342 : memref<8x512xf32, #tpu.memory_space<hbm>>) target(%arg8 : memref<8x512xf32, #tpu.memory_space<vmem>>) target_semaphore(%arg20 : memref<!tpu.dma_semaphore, #tpu.memory_space<semaphore_mem>>)
          %mul3A_343 = arith.constant 96 : i32
          %mul3A_344 = arith.muli %select_n3A, %mul3A_343 : i32
          %add3A_345 = arith.addi %mul3A_344, %mul3A_101 : i32
          %add3A_346 = arith.constant 2 : i32
          %add3A_347 = arith.addi %add3A_345, %add3A_346 : i32
          %mul3A_348 = arith.constant 8 : i32
          %mul3A_349 = arith.muli %add3A_314, %mul3A_348 : i32
          %add3A_350 = arith.addi %mul3A_32, %mul3A_349 : i32
          %dma_start3A_351 = arith.constant 0 : i32
          %dma_start3A_352 = tpu.memref_slice %arg2[%add3A_347, %add3A_350, %dma_start3A_351] : memref<384x512x512xf32, #tpu.memory_space<hbm>> -> memref<1x8x512xf32, #tpu.memory_space<hbm>>
          %dma_start3A_353 = tpu.memref_squeeze %dma_start3A_352 : memref<1x8x512xf32, #tpu.memory_space<hbm>> -> memref<8x512xf32, #tpu.memory_space<hbm>>
          %dma_start3A_354 = arith.constant 0 : i32
          %dma_start3A_355 = tpu.memref_slice %arg2[%add3A_347, %add3A_350, %dma_start3A_354] : memref<384x512x512xf32, #tpu.memory_space<hbm>> -> memref<1x8x512xf32, #tpu.memory_space<hbm>>
          %dma_start3A_356 = tpu.memref_squeeze %dma_start3A_355 : memref<1x8x512xf32, #tpu.memory_space<hbm>> -> memref<8x512xf32, #tpu.memory_space<hbm>>
          tpu.enqueue_dma source(%dma_start3A_356 : memref<8x512xf32, #tpu.memory_space<hbm>>) target(%arg10 : memref<8x512xf32, #tpu.memory_space<vmem>>) target_semaphore(%arg22 : memref<!tpu.dma_semaphore, #tpu.memory_space<semaphore_mem>>)
        } else {
        }
        %add3A_293 = arith.constant 1 : i32
        %add3A_294 = arith.addi %scan3A_150, %add3A_293 : i32
        %eq3A_295 = arith.constant 4 : i32
        %eq3A_296 = arith.cmpi eq, %add3A_294, %eq3A_295 : i32
        %add3A_297 = arith.constant 1 : i32
        %add3A_298 = arith.addi %scan3A_99, %add3A_297 : i32
        %lt3A_299 = arith.constant 32 : i32
        %lt3A_300 = arith.cmpi slt, %add3A_298, %lt3A_299 : i32
        %and3A_301 = arith.andi %eq3A_296, %lt3A_300 : i1
        %convert_element_type3A_302 = arith.extui %and3A_301 : i1 to i32
        %cond3A_303 = arith.constant 0 : i32
        %cond3A_304 = arith.cmpi ne, %convert_element_type3A_302, %cond3A_303 : i32
        scf.if %cond3A_304 {
          %add3A_313 = arith.constant 3 : i32
          %add3A_314 = arith.addi %mul3A_101, %add3A_313 : i32
          %mul3A_315 = arith.constant 96 : i32
          %mul3A_316 = arith.muli %select_n3A, %mul3A_315 : i32
          %add3A_317 = arith.addi %mul3A_316, %add3A_314 : i32
          %add3A_318 = arith.constant 0 : i32
          %add3A_319 = arith.addi %add3A_317, %add3A_318 : i32
          %add3A_320 = arith.constant 0 : i32
          %add3A_321 = arith.addi %mul3A_32, %add3A_320 : i32
          %dma_start3A_322 = arith.constant 0 : i32
          %dma_start3A_323 = tpu.memref_slice %arg2[%add3A_319, %add3A_321, %dma_start3A_322] : memref<384x512x512xf32, #tpu.memory_space<hbm>> -> memref<1x8x512xf32, #tpu.memory_space<hbm>>
          %dma_start3A_324 = tpu.memref_squeeze %dma_start3A_323 : memref<1x8x512xf32, #tpu.memory_space<hbm>> -> memref<8x512xf32, #tpu.memory_space<hbm>>
          %dma_start3A_325 = arith.constant 0 : i32
          %dma_start3A_326 = tpu.memref_slice %arg2[%add3A_319, %add3A_321, %dma_start3A_325] : memref<384x512x512xf32, #tpu.memory_space<hbm>> -> memref<1x8x512xf32, #tpu.memory_space<hbm>>
          %dma_start3A_327 = tpu.memref_squeeze %dma_start3A_326 : memref<1x8x512xf32, #tpu.memory_space<hbm>> -> memref<8x512xf32, #tpu.memory_space<hbm>>
          tpu.enqueue_dma source(%dma_start3A_327 : memref<8x512xf32, #tpu.memory_space<hbm>>) target(%arg6 : memref<8x512xf32, #tpu.memory_space<vmem>>) target_semaphore(%arg18 : memref<!tpu.dma_semaphore, #tpu.memory_space<semaphore_mem>>)
          %mul3A_328 = arith.constant 96 : i32
          %mul3A_329 = arith.muli %select_n3A, %mul3A_328 : i32
          %add3A_330 = arith.addi %mul3A_329, %add3A_314 : i32
          %add3A_331 = arith.constant 1 : i32
          %add3A_332 = arith.addi %add3A_330, %add3A_331 : i32
          %add3A_333 = arith.constant 0 : i32
          %add3A_334 = arith.addi %mul3A_32, %add3A_333 : i32
          %dma_start3A_335 = arith.constant 0 : i32
          %dma_start3A_336 = tpu.memref_slice %arg2[%add3A_332, %add3A_334, %dma_start3A_335] : memref<384x512x512xf32, #tpu.memory_space<hbm>> -> memref<1x8x512xf32, #tpu.memory_space<hbm>>
          %dma_start3A_337 = tpu.memref_squeeze %dma_start3A_336 : memref<1x8x512xf32, #tpu.memory_space<hbm>> -> memref<8x512xf32, #tpu.memory_space<hbm>>
          %dma_start3A_338 = arith.constant 0 : i32
          %dma_start3A_339 = tpu.memref_slice %arg2[%add3A_332, %add3A_334, %dma_start3A_338] : memref<384x512x512xf32, #tpu.memory_space<hbm>> -> memref<1x8x512xf32, #tpu.memory_space<hbm>>
          %dma_start3A_340 = tpu.memref_squeeze %dma_start3A_339 : memref<1x8x512xf32, #tpu.memory_space<hbm>> -> memref<8x512xf32, #tpu.memory_space<hbm>>
          tpu.enqueue_dma source(%dma_start3A_340 : memref<8x512xf32, #tpu.memory_space<hbm>>) target(%arg8 : memref<8x512xf32, #tpu.memory_space<vmem>>) target_semaphore(%arg20 : memref<!tpu.dma_semaphore, #tpu.memory_space<semaphore_mem>>)
          %mul3A_341 = arith.constant 96 : i32
          %mul3A_342 = arith.muli %select_n3A, %mul3A_341 : i32
          %add3A_343 = arith.addi %mul3A_342, %add3A_314 : i32
          %add3A_344 = arith.constant 2 : i32
          %add3A_345 = arith.addi %add3A_343, %add3A_344 : i32
          %add3A_346 = arith.constant 0 : i32
          %add3A_347 = arith.addi %mul3A_32, %add3A_346 : i32
          %dma_start3A_348 = arith.constant 0 : i32
          %dma_start3A_349 = tpu.memref_slice %arg2[%add3A_345, %add3A_347, %dma_start3A_348] : memref<384x512x512xf32, #tpu.memory_space<hbm>> -> memref<1x8x512xf32, #tpu.memory_space<hbm>>
          %dma_start3A_350 = tpu.memref_squeeze %dma_start3A_349 : memref<1x8x512xf32, #tpu.memory_space<hbm>> -> memref<8x512xf32, #tpu.memory_space<hbm>>
          %dma_start3A_351 = arith.constant 0 : i32
          %dma_start3A_352 = tpu.memref_slice %arg2[%add3A_345, %add3A_347, %dma_start3A_351] : memref<384x512x512xf32, #tpu.memory_space<hbm>> -> memref<1x8x512xf32, #tpu.memory_space<hbm>>
          %dma_start3A_353 = tpu.memref_squeeze %dma_start3A_352 : memref<1x8x512xf32, #tpu.memory_space<hbm>> -> memref<8x512xf32, #tpu.memory_space<hbm>>
          tpu.enqueue_dma source(%dma_start3A_353 : memref<8x512xf32, #tpu.memory_space<hbm>>) target(%arg10 : memref<8x512xf32, #tpu.memory_space<vmem>>) target_semaphore(%arg22 : memref<!tpu.dma_semaphore, #tpu.memory_space<semaphore_mem>>)
        } else {
        }
        %add3A_305 = arith.constant 1 : i32
        %add3A_306 = arith.addi %mul3A_152, %add3A_305 : i32
        %scan3A_307 = arith.constant 0 : i32
        %scan3A_308 = arith.constant 0 : i32
        %scan3A_309 = arith.constant 64 : i32
        %scan3A_310 = arith.addi %scan3A_308, %scan3A_309 : i32
        %scan3A_311 = arith.constant 1 : i32
        scf.for %scan3A_313 = %scan3A_308 to %scan3A_310 step %scan3A_311  : i32 {
          %jit3A_314 = arith.constant 8 : i32
          %div3A_315 = arith.divsi %scan3A_313, %jit3A_314 : i32
          %sign3A_316 = arith.constant 0 : i32
          %sign3A_317 = arith.cmpi sgt, %scan3A_313, %sign3A_316 : i32
          %sign3A_318 = arith.extui %sign3A_317 : i1 to i32
          %sign3A_319 = arith.constant 0 : i32
          %sign3A_320 = arith.cmpi slt, %scan3A_313, %sign3A_319 : i32
          %sign3A_321 = arith.extui %sign3A_320 : i1 to i32
          %sign3A_322 = arith.subi %sign3A_318, %sign3A_321 : i32
          %sign3A_323 = arith.constant 0 : i32
          %sign3A_324 = arith.cmpi sgt, %jit3A_314, %sign3A_323 : i32
          %sign3A_325 = arith.extui %sign3A_324 : i1 to i32
          %sign3A_326 = arith.constant 0 : i32
          %sign3A_327 = arith.cmpi slt, %jit3A_314, %sign3A_326 : i32
          %sign3A_328 = arith.extui %sign3A_327 : i1 to i32
          %sign3A_329 = arith.subi %sign3A_325, %sign3A_328 : i32
          %ne3A_330 = arith.cmpi ne, %sign3A_322, %sign3A_329 : i32
          %rem3A_331 = arith.remsi %scan3A_313, %jit3A_314 : i32
          %ne3A_332 = arith.constant 0 : i32
          %ne3A_333 = arith.cmpi ne, %rem3A_331, %ne3A_332 : i32
          %and3A_334 = arith.andi %ne3A_330, %ne3A_333 : i1
          %sub3A_335 = arith.constant 1 : i32
          %sub3A_336 = arith.subi %div3A_315, %sub3A_335 : i32
          %select_n3A_337 = arith.select %and3A_334, %sub3A_336, %div3A_315 : i32
          %jit3A_338 = arith.constant 8 : i32
          %eq3A_339 = arith.constant 0 : i32
          %eq3A_340 = arith.cmpi eq, %jit3A_338, %eq3A_339 : i32
          %jit3A_341 = arith.constant 1 : i32
          %select_n3A_342 = arith.select %eq3A_340, %jit3A_341, %jit3A_338 : i32
          %rem3A_343 = arith.remsi %scan3A_313, %select_n3A_342 : i32
          %ne3A_344 = arith.constant 0 : i32
          %ne3A_345 = arith.cmpi ne, %rem3A_343, %ne3A_344 : i32
          %lt3A_346 = arith.constant 0 : i32
          %lt3A_347 = arith.cmpi slt, %rem3A_343, %lt3A_346 : i32
          %lt3A_348 = arith.constant 0 : i32
          %lt3A_349 = arith.cmpi slt, %select_n3A_342, %lt3A_348 : i32
          %ne3A_350 = arith.xori %lt3A_347, %lt3A_349 : i1
          %and3A_351 = arith.andi %ne3A_350, %ne3A_345 : i1
          %add3A_352 = arith.addi %rem3A_343, %select_n3A_342 : i32
          %select_n3A_353 = arith.select %and3A_351, %add3A_352, %rem3A_343 : i32
          %mul3A_354 = arith.constant 64 : i32
          %mul3A_355 = arith.muli %select_n3A_353, %mul3A_354 : i32
          %mul3A_356 = arith.constant 8 : i32
          %mul3A_357 = arith.muli %add3A_306, %mul3A_356 : i32
          %add3A_358 = arith.addi %mul3A_357, %select_n3A_337 : i32
          %add3A_359 = arith.constant 0 : i32
          %add3A_360 = arith.addi %mul3A_355, %add3A_359 : i32
          %get3A = arith.index_cast %add3A_358 : i32 to index
          %get3A_361 = arith.index_cast %add3A_360 : i32 to index
          %get3A_362 = tpu.vector_load %arg5[%get3A, %get3A_361] {strides = array<i32>} : memref<64x512xi32, #tpu.memory_space<vmem>>, vector<16xi32>,
          %add3A_363 = arith.constant 16 : i32
          %add3A_364 = arith.addi %mul3A_355, %add3A_363 : i32
          %get3A_365 = arith.index_cast %add3A_358 : i32 to index
          %get3A_366 = arith.index_cast %add3A_364 : i32 to index
          %get3A_367 = tpu.vector_load %arg5[%get3A_365, %get3A_366] {strides = array<i32>} : memref<64x512xi32, #tpu.memory_space<vmem>>, vector<16xi32>,
          %add3A_368 = arith.constant 32 : i32
          %add3A_369 = arith.addi %mul3A_355, %add3A_368 : i32
          %get3A_370 = arith.index_cast %add3A_358 : i32 to index
          %get3A_371 = arith.index_cast %add3A_369 : i32 to index
          %get3A_372 = tpu.vector_load %arg5[%get3A_370, %get3A_371] {strides = array<i32>} : memref<64x512xi32, #tpu.memory_space<vmem>>, vector<16xi32>,
          %add3A_373 = arith.constant 48 : i32
          %add3A_374 = arith.addi %mul3A_355, %add3A_373 : i32
          %get3A_375 = arith.index_cast %add3A_358 : i32 to index
          %get3A_376 = arith.index_cast %add3A_374 : i32 to index
          %get3A_377 = tpu.vector_load %arg5[%get3A_375, %get3A_376] {strides = array<i32>} : memref<64x512xi32, #tpu.memory_space<vmem>>, vector<16xi32>,
          %add3A_378 = arith.constant 0 : i32
          %add3A_379 = arith.addi %mul3A_355, %add3A_378 : i32
          %get3A_380 = arith.index_cast %select_n3A_337 : i32 to index
          %get3A_381 = arith.index_cast %add3A_379 : i32 to index
          %get3A_382 = tpu.vector_load %arg7[%get3A_380, %get3A_381] {strides = array<i32>} : memref<8x512xf32, #tpu.memory_space<vmem>>, vector<16xf32>,
          %add3A_383 = arith.constant 0 : i32
          %add3A_384 = arith.addi %mul3A_355, %add3A_383 : i32
          %get3A_385 = arith.index_cast %select_n3A_337 : i32 to index
          %get3A_386 = arith.index_cast %add3A_384 : i32 to index
          %get3A_387 = tpu.vector_load %arg9[%get3A_385, %get3A_386] {strides = array<i32>} : memref<8x512xf32, #tpu.memory_space<vmem>>, vector<16xf32>,
          %add3A_388 = arith.constant 0 : i32
          %add3A_389 = arith.addi %mul3A_355, %add3A_388 : i32
          %get3A_390 = arith.index_cast %select_n3A_337 : i32 to index
          %get3A_391 = arith.index_cast %add3A_389 : i32 to index
          %get3A_392 = tpu.vector_load %arg11[%get3A_390, %get3A_391] {strides = array<i32>} : memref<8x512xf32, #tpu.memory_space<vmem>>, vector<16xf32>,
          %add3A_393 = arith.constant 16 : i32
          %add3A_394 = arith.addi %mul3A_355, %add3A_393 : i32
          %get3A_395 = arith.index_cast %select_n3A_337 : i32 to index
          %get3A_396 = arith.index_cast %add3A_394 : i32 to index
          %get3A_397 = tpu.vector_load %arg7[%get3A_395, %get3A_396] {strides = array<i32>} : memref<8x512xf32, #tpu.memory_space<vmem>>, vector<16xf32>,
          %add3A_398 = arith.constant 16 : i32
          %add3A_399 = arith.addi %mul3A_355, %add3A_398 : i32
          %get3A_400 = arith.index_cast %select_n3A_337 : i32 to index
          %get3A_401 = arith.index_cast %add3A_399 : i32 to index
          %get3A_402 = tpu.vector_load %arg9[%get3A_400, %get3A_401] {strides = array<i32>} : memref<8x512xf32, #tpu.memory_space<vmem>>, vector<16xf32>,
          %add3A_403 = arith.constant 16 : i32
          %add3A_404 = arith.addi %mul3A_355, %add3A_403 : i32
          %get3A_405 = arith.index_cast %select_n3A_337 : i32 to index
          %get3A_406 = arith.index_cast %add3A_404 : i32 to index
          %get3A_407 = tpu.vector_load %arg11[%get3A_405, %get3A_406] {strides = array<i32>} : memref<8x512xf32, #tpu.memory_space<vmem>>, vector<16xf32>,
          %add3A_408 = arith.constant 32 : i32
          %add3A_409 = arith.addi %mul3A_355, %add3A_408 : i32
          %get3A_410 = arith.index_cast %select_n3A_337 : i32 to index
          %get3A_411 = arith.index_cast %add3A_409 : i32 to index
          %get3A_412 = tpu.vector_load %arg7[%get3A_410, %get3A_411] {strides = array<i32>} : memref<8x512xf32, #tpu.memory_space<vmem>>, vector<16xf32>,
          %add3A_413 = arith.constant 32 : i32
          %add3A_414 = arith.addi %mul3A_355, %add3A_413 : i32
          %get3A_415 = arith.index_cast %select_n3A_337 : i32 to index
          %get3A_416 = arith.index_cast %add3A_414 : i32 to index
          %get3A_417 = tpu.vector_load %arg9[%get3A_415, %get3A_416] {strides = array<i32>} : memref<8x512xf32, #tpu.memory_space<vmem>>, vector<16xf32>,
          %add3A_418 = arith.constant 32 : i32
          %add3A_419 = arith.addi %mul3A_355, %add3A_418 : i32
          %get3A_420 = arith.index_cast %select_n3A_337 : i32 to index
          %get3A_421 = arith.index_cast %add3A_419 : i32 to index
          %get3A_422 = tpu.vector_load %arg11[%get3A_420, %get3A_421] {strides = array<i32>} : memref<8x512xf32, #tpu.memory_space<vmem>>, vector<16xf32>,
          %add3A_423 = arith.constant 48 : i32
          %add3A_424 = arith.addi %mul3A_355, %add3A_423 : i32
          %get3A_425 = arith.index_cast %select_n3A_337 : i32 to index
          %get3A_426 = arith.index_cast %add3A_424 : i32 to index
          %get3A_427 = tpu.vector_load %arg7[%get3A_425, %get3A_426] {strides = array<i32>} : memref<8x512xf32, #tpu.memory_space<vmem>>, vector<16xf32>,
          %add3A_428 = arith.constant 48 : i32
          %add3A_429 = arith.addi %mul3A_355, %add3A_428 : i32
          %get3A_430 = arith.index_cast %select_n3A_337 : i32 to index
          %get3A_431 = arith.index_cast %add3A_429 : i32 to index
          %get3A_432 = tpu.vector_load %arg9[%get3A_430, %get3A_431] {strides = array<i32>} : memref<8x512xf32, #tpu.memory_space<vmem>>, vector<16xf32>,
          %add3A_433 = arith.constant 48 : i32
          %add3A_434 = arith.addi %mul3A_355, %add3A_433 : i32
          %get3A_435 = arith.index_cast %select_n3A_337 : i32 to index
          %get3A_436 = arith.index_cast %add3A_434 : i32 to index
          %get3A_437 = tpu.vector_load %arg11[%get3A_435, %get3A_436] {strides = array<i32>} : memref<8x512xf32, #tpu.memory_space<vmem>>, vector<16xf32>,
          %gather3A = tpu.vector_load_idx %arg12[%get3A_362] : memref<17408xf32, #tpu.memory_space<vmem>>[vector<16xi32>], vector<16xf32>,
          %gather3A_438 = tpu.vector_load_idx %arg13[%get3A_362] : memref<17408xf32, #tpu.memory_space<vmem>>[vector<16xi32>], vector<16xf32>,
          %gather3A_439 = tpu.vector_load_idx %arg14[%get3A_362] : memref<17408xf32, #tpu.memory_space<vmem>>[vector<16xi32>], vector<16xf32>,
          %max3A = arith.maximumf %gather3A, %get3A_382 : vector<16xf32>
          %max3A_440 = arith.maximumf %gather3A_438, %get3A_387 : vector<16xf32>
          %max3A_441 = arith.maximumf %gather3A_439, %get3A_392 : vector<16xf32>
          tpu.vector_store_idx %arg12[%get3A_362], %max3A : memref<17408xf32, #tpu.memory_space<vmem>>[vector<16xi32>], vector<16xf32>,
          tpu.vector_store_idx %arg13[%get3A_362], %max3A_440 : memref<17408xf32, #tpu.memory_space<vmem>>[vector<16xi32>], vector<16xf32>,
          tpu.vector_store_idx %arg14[%get3A_362], %max3A_441 : memref<17408xf32, #tpu.memory_space<vmem>>[vector<16xi32>], vector<16xf32>,
          %gather3A_442 = tpu.vector_load_idx %arg12[%get3A_367] : memref<17408xf32, #tpu.memory_space<vmem>>[vector<16xi32>], vector<16xf32>,
          %gather3A_443 = tpu.vector_load_idx %arg13[%get3A_367] : memref<17408xf32, #tpu.memory_space<vmem>>[vector<16xi32>], vector<16xf32>,
          %gather3A_444 = tpu.vector_load_idx %arg14[%get3A_367] : memref<17408xf32, #tpu.memory_space<vmem>>[vector<16xi32>], vector<16xf32>,
          %max3A_445 = arith.maximumf %gather3A_442, %get3A_397 : vector<16xf32>
          %max3A_446 = arith.maximumf %gather3A_443, %get3A_402 : vector<16xf32>
          %max3A_447 = arith.maximumf %gather3A_444, %get3A_407 : vector<16xf32>
          tpu.vector_store_idx %arg12[%get3A_367], %max3A_445 : memref<17408xf32, #tpu.memory_space<vmem>>[vector<16xi32>], vector<16xf32>,
          tpu.vector_store_idx %arg13[%get3A_367], %max3A_446 : memref<17408xf32, #tpu.memory_space<vmem>>[vector<16xi32>], vector<16xf32>,
          tpu.vector_store_idx %arg14[%get3A_367], %max3A_447 : memref<17408xf32, #tpu.memory_space<vmem>>[vector<16xi32>], vector<16xf32>,
          %gather3A_448 = tpu.vector_load_idx %arg12[%get3A_372] : memref<17408xf32, #tpu.memory_space<vmem>>[vector<16xi32>], vector<16xf32>,
          %gather3A_449 = tpu.vector_load_idx %arg13[%get3A_372] : memref<17408xf32, #tpu.memory_space<vmem>>[vector<16xi32>], vector<16xf32>,
          %gather3A_450 = tpu.vector_load_idx %arg14[%get3A_372] : memref<17408xf32, #tpu.memory_space<vmem>>[vector<16xi32>], vector<16xf32>,
          %max3A_451 = arith.maximumf %gather3A_448, %get3A_412 : vector<16xf32>
          %max3A_452 = arith.maximumf %gather3A_449, %get3A_417 : vector<16xf32>
          %max3A_453 = arith.maximumf %gather3A_450, %get3A_422 : vector<16xf32>
          tpu.vector_store_idx %arg12[%get3A_372], %max3A_451 : memref<17408xf32, #tpu.memory_space<vmem>>[vector<16xi32>], vector<16xf32>,
          tpu.vector_store_idx %arg13[%get3A_372], %max3A_452 : memref<17408xf32, #tpu.memory_space<vmem>>[vector<16xi32>], vector<16xf32>,
          tpu.vector_store_idx %arg14[%get3A_372], %max3A_453 : memref<17408xf32, #tpu.memory_space<vmem>>[vector<16xi32>], vector<16xf32>,
          %gather3A_454 = tpu.vector_load_idx %arg12[%get3A_377] : memref<17408xf32, #tpu.memory_space<vmem>>[vector<16xi32>], vector<16xf32>,
          %gather3A_455 = tpu.vector_load_idx %arg13[%get3A_377] : memref<17408xf32, #tpu.memory_space<vmem>>[vector<16xi32>], vector<16xf32>,
          %gather3A_456 = tpu.vector_load_idx %arg14[%get3A_377] : memref<17408xf32, #tpu.memory_space<vmem>>[vector<16xi32>], vector<16xf32>,
          %max3A_457 = arith.maximumf %gather3A_454, %get3A_427 : vector<16xf32>
          %max3A_458 = arith.maximumf %gather3A_455, %get3A_432 : vector<16xf32>
          %max3A_459 = arith.maximumf %gather3A_456, %get3A_437 : vector<16xf32>
          tpu.vector_store_idx %arg12[%get3A_377], %max3A_457 : memref<17408xf32, #tpu.memory_space<vmem>>[vector<16xi32>], vector<16xf32>,
          tpu.vector_store_idx %arg13[%get3A_377], %max3A_458 : memref<17408xf32, #tpu.memory_space<vmem>>[vector<16xi32>], vector<16xf32>,
          tpu.vector_store_idx %arg14[%get3A_377], %max3A_459 : memref<17408xf32, #tpu.memory_space<vmem>>[vector<16xi32>], vector<16xf32>,
        }
        %scan3A_312 = arith.constant 64 : i32
      }
      %scan3A_107 = arith.constant 4 : i32
      %parallel_loop3A_108 = arith.constant 0 : i32
      %parallel_loop3A_109 = arith.constant 64 : i32
      %parallel_loop3A_110 = arith.constant 1 : i32
      scf.for %parallel_loop3A_150 = %parallel_loop3A_108 to %parallel_loop3A_109 step %parallel_loop3A_110  : i32 {
        %parallel_loop3A_151 = arith.constant 16 : i32
        %parallel_loop3A_152 = arith.muli %parallel_loop3A_150, %parallel_loop3A_151 : i32
        %parallel_loop3A_153 = arith.index_cast %parallel_loop3A_152 : i32 to index
        %parallel_loop3A_154 = tpu.vector_load %arg12[%parallel_loop3A_153] {strides = array<i32>} : memref<17408xf32, #tpu.memory_space<vmem>>, vector<16xf32>,
        %parallel_loop3A_155 = arith.constant 16 : i32
        %parallel_loop3A_156 = arith.muli %parallel_loop3A_150, %parallel_loop3A_155 : i32
        %parallel_loop3A_157 = arith.index_cast %parallel_loop3A_156 : i32 to index
        %parallel_loop3A_158 = tpu.vector_load %arg15[%parallel_loop3A_157] {strides = array<i32>} : memref<1024xf32, #tpu.memory_space<vmem>>, vector<16xf32>,
        tpu.vector_store %arg15[%parallel_loop3A_157], %parallel_loop3A_154 {strides = array<i32>} : memref<1024xf32, #tpu.memory_space<vmem>>, vector<16xf32>,
        %parallel_loop3A_159 = arith.constant 16 : i32
        %parallel_loop3A_160 = arith.muli %parallel_loop3A_150, %parallel_loop3A_159 : i32
        %parallel_loop3A_161 = arith.index_cast %parallel_loop3A_160 : i32 to index
        %parallel_loop3A_162 = tpu.vector_load %arg12[%parallel_loop3A_161] {strides = array<i32>} : memref<17408xf32, #tpu.memory_space<vmem>>, vector<16xf32>,
        tpu.vector_store %arg12[%parallel_loop3A_161], %broadcast_in_dim3A_33 {strides = array<i32>} : memref<17408xf32, #tpu.memory_space<vmem>>, vector<16xf32>,
        %parallel_loop3A_163 = arith.constant 16 : i32
        %parallel_loop3A_164 = arith.muli %parallel_loop3A_150, %parallel_loop3A_163 : i32
        %parallel_loop3A_165 = arith.index_cast %parallel_loop3A_164 : i32 to index
        %parallel_loop3A_166 = tpu.vector_load %arg13[%parallel_loop3A_165] {strides = array<i32>} : memref<17408xf32, #tpu.memory_space<vmem>>, vector<16xf32>,
        %parallel_loop3A_167 = arith.constant 16 : i32
        %parallel_loop3A_168 = arith.muli %parallel_loop3A_150, %parallel_loop3A_167 : i32
        %parallel_loop3A_169 = arith.index_cast %parallel_loop3A_168 : i32 to index
        %parallel_loop3A_170 = tpu.vector_load %arg16[%parallel_loop3A_169] {strides = array<i32>} : memref<1024xf32, #tpu.memory_space<vmem>>, vector<16xf32>,
        tpu.vector_store %arg16[%parallel_loop3A_169], %parallel_loop3A_166 {strides = array<i32>} : memref<1024xf32, #tpu.memory_space<vmem>>, vector<16xf32>,
        %parallel_loop3A_171 = arith.constant 16 : i32
        %parallel_loop3A_172 = arith.muli %parallel_loop3A_150, %parallel_loop3A_171 : i32
        %parallel_loop3A_173 = arith.index_cast %parallel_loop3A_172 : i32 to index
        %parallel_loop3A_174 = tpu.vector_load %arg13[%parallel_loop3A_173] {strides = array<i32>} : memref<17408xf32, #tpu.memory_space<vmem>>, vector<16xf32>,
        tpu.vector_store %arg13[%parallel_loop3A_173], %broadcast_in_dim3A_33 {strides = array<i32>} : memref<17408xf32, #tpu.memory_space<vmem>>, vector<16xf32>,
        %parallel_loop3A_175 = arith.constant 16 : i32
        %parallel_loop3A_176 = arith.muli %parallel_loop3A_150, %parallel_loop3A_175 : i32
        %parallel_loop3A_177 = arith.index_cast %parallel_loop3A_176 : i32 to index
        %parallel_loop3A_178 = tpu.vector_load %arg14[%parallel_loop3A_177] {strides = array<i32>} : memref<17408xf32, #tpu.memory_space<vmem>>, vector<16xf32>,
        %parallel_loop3A_179 = arith.constant 16 : i32
        %parallel_loop3A_180 = arith.muli %parallel_loop3A_150, %parallel_loop3A_179 : i32
        %parallel_loop3A_181 = arith.index_cast %parallel_loop3A_180 : i32 to index
        %parallel_loop3A_182 = tpu.vector_load %arg17[%parallel_loop3A_181] {strides = array<i32>} : memref<1024xf32, #tpu.memory_space<vmem>>, vector<16xf32>,
        tpu.vector_store %arg17[%parallel_loop3A_181], %parallel_loop3A_178 {strides = array<i32>} : memref<1024xf32, #tpu.memory_space<vmem>>, vector<16xf32>,
        %parallel_loop3A_183 = arith.constant 16 : i32
        %parallel_loop3A_184 = arith.muli %parallel_loop3A_150, %parallel_loop3A_183 : i32
        %parallel_loop3A_185 = arith.index_cast %parallel_loop3A_184 : i32 to index
        %parallel_loop3A_186 = tpu.vector_load %arg14[%parallel_loop3A_185] {strides = array<i32>} : memref<17408xf32, #tpu.memory_space<vmem>>, vector<16xf32>,
        tpu.vector_store %arg14[%parallel_loop3A_185], %broadcast_in_dim3A_33 {strides = array<i32>} : memref<17408xf32, #tpu.memory_space<vmem>>, vector<16xf32>,
      } {sc.loop_unroll_factor = 4 : i64, sc.parallel_access}
      %while3A = arith.constant 0 : i32
      %while3A_111 = arith.constant 1 : i32
      %while3A_112 = arith.subi %add3A_51, %while3A_111 : i32
      %while3A_113 = arith.addi %while3A_111, %while3A_112 : i32
      %while3A_114 = arith.constant 1 : i32
      %while3A_115 = arith.divsi %while3A_112, %while3A_114 : i32
      %while3A_116 = arith.muli %while3A_115, %while3A_114 : i32
      %while3A_117 = arith.addi %while3A_111, %while3A_116 : i32
      %while3A_118 = arith.constant 1 : i32
      scf.for %while3A_150 = %while3A_111 to %while3A_117 step %while3A_118  : i32 {
        %parallel_loop3A_151 = arith.constant 0 : i32
        %parallel_loop3A_152 = arith.constant 64 : i32
        %parallel_loop3A_153 = arith.constant 1 : i32
        scf.for %parallel_loop3A_154 = %parallel_loop3A_151 to %parallel_loop3A_152 step %parallel_loop3A_153  : i32 {
          %parallel_loop3A_155 = arith.constant 1024 : i32
          %parallel_loop3A_156 = arith.muli %while3A_150, %parallel_loop3A_155 : i32
          %parallel_loop3A_157 = arith.constant 16 : i32
          %parallel_loop3A_158 = arith.muli %parallel_loop3A_154, %parallel_loop3A_157 : i32
          %parallel_loop3A_159 = arith.addi %parallel_loop3A_156, %parallel_loop3A_158 : i32
          %parallel_loop3A_160 = arith.index_cast %parallel_loop3A_159 : i32 to index
          %parallel_loop3A_161 = tpu.vector_load %arg12[%parallel_loop3A_160] {strides = array<i32>} : memref<17408xf32, #tpu.memory_space<vmem>>, vector<16xf32>,
          %parallel_loop3A_162 = arith.index_cast %parallel_loop3A_159 : i32 to index
          %parallel_loop3A_163 = tpu.vector_load %arg12[%parallel_loop3A_162] {strides = array<i32>} : memref<17408xf32, #tpu.memory_space<vmem>>, vector<16xf32>,
          tpu.vector_store %arg12[%parallel_loop3A_162], %broadcast_in_dim3A_33 {strides = array<i32>} : memref<17408xf32, #tpu.memory_space<vmem>>, vector<16xf32>,
          %parallel_loop3A_164 = arith.constant 16 : i32
          %parallel_loop3A_165 = arith.muli %parallel_loop3A_154, %parallel_loop3A_164 : i32
          %parallel_loop3A_166 = arith.index_cast %parallel_loop3A_165 : i32 to index
          %parallel_loop3A_167 = tpu.vector_load %arg15[%parallel_loop3A_166] {strides = array<i32>} : memref<1024xf32, #tpu.memory_space<vmem>>, vector<16xf32>,
          %parallel_loop3A_168 = arith.maximumf %parallel_loop3A_167, %parallel_loop3A_161 : vector<16xf32>
          %parallel_loop3A_169 = arith.constant 16 : i32
          %parallel_loop3A_170 = arith.muli %parallel_loop3A_154, %parallel_loop3A_169 : i32
          %parallel_loop3A_171 = arith.index_cast %parallel_loop3A_170 : i32 to index
          %parallel_loop3A_172 = tpu.vector_load %arg15[%parallel_loop3A_171] {strides = array<i32>} : memref<1024xf32, #tpu.memory_space<vmem>>, vector<16xf32>,
          tpu.vector_store %arg15[%parallel_loop3A_171], %parallel_loop3A_168 {strides = array<i32>} : memref<1024xf32, #tpu.memory_space<vmem>>, vector<16xf32>,
          %parallel_loop3A_173 = arith.constant 1024 : i32
          %parallel_loop3A_174 = arith.muli %while3A_150, %parallel_loop3A_173 : i32
          %parallel_loop3A_175 = arith.constant 16 : i32
          %parallel_loop3A_176 = arith.muli %parallel_loop3A_154, %parallel_loop3A_175 : i32
          %parallel_loop3A_177 = arith.addi %parallel_loop3A_174, %parallel_loop3A_176 : i32
          %parallel_loop3A_178 = arith.index_cast %parallel_loop3A_177 : i32 to index
          %parallel_loop3A_179 = tpu.vector_load %arg13[%parallel_loop3A_178] {strides = array<i32>} : memref<17408xf32, #tpu.memory_space<vmem>>, vector<16xf32>,
          %parallel_loop3A_180 = arith.index_cast %parallel_loop3A_177 : i32 to index
          %parallel_loop3A_181 = tpu.vector_load %arg13[%parallel_loop3A_180] {strides = array<i32>} : memref<17408xf32, #tpu.memory_space<vmem>>, vector<16xf32>,
          tpu.vector_store %arg13[%parallel_loop3A_180], %broadcast_in_dim3A_33 {strides = array<i32>} : memref<17408xf32, #tpu.memory_space<vmem>>, vector<16xf32>,
          %parallel_loop3A_182 = arith.constant 16 : i32
          %parallel_loop3A_183 = arith.muli %parallel_loop3A_154, %parallel_loop3A_182 : i32
          %parallel_loop3A_184 = arith.index_cast %parallel_loop3A_183 : i32 to index
          %parallel_loop3A_185 = tpu.vector_load %arg16[%parallel_loop3A_184] {strides = array<i32>} : memref<1024xf32, #tpu.memory_space<vmem>>, vector<16xf32>,
          %parallel_loop3A_186 = arith.maximumf %parallel_loop3A_185, %parallel_loop3A_179 : vector<16xf32>
          %parallel_loop3A_187 = arith.constant 16 : i32
          %parallel_loop3A_188 = arith.muli %parallel_loop3A_154, %parallel_loop3A_187 : i32
          %parallel_loop3A_189 = arith.index_cast %parallel_loop3A_188 : i32 to index
          %parallel_loop3A_190 = tpu.vector_load %arg16[%parallel_loop3A_189] {strides = array<i32>} : memref<1024xf32, #tpu.memory_space<vmem>>, vector<16xf32>,
          tpu.vector_store %arg16[%parallel_loop3A_189], %parallel_loop3A_186 {strides = array<i32>} : memref<1024xf32, #tpu.memory_space<vmem>>, vector<16xf32>,
          %parallel_loop3A_191 = arith.constant 1024 : i32
          %parallel_loop3A_192 = arith.muli %while3A_150, %parallel_loop3A_191 : i32
          %parallel_loop3A_193 = arith.constant 16 : i32
          %parallel_loop3A_194 = arith.muli %parallel_loop3A_154, %parallel_loop3A_193 : i32
          %parallel_loop3A_195 = arith.addi %parallel_loop3A_192, %parallel_loop3A_194 : i32
          %parallel_loop3A_196 = arith.index_cast %parallel_loop3A_195 : i32 to index
          %parallel_loop3A_197 = tpu.vector_load %arg14[%parallel_loop3A_196] {strides = array<i32>} : memref<17408xf32, #tpu.memory_space<vmem>>, vector<16xf32>,
          %parallel_loop3A_198 = arith.index_cast %parallel_loop3A_195 : i32 to index
          %parallel_loop3A_199 = tpu.vector_load %arg14[%parallel_loop3A_198] {strides = array<i32>} : memref<17408xf32, #tpu.memory_space<vmem>>, vector<16xf32>,
          tpu.vector_store %arg14[%parallel_loop3A_198], %broadcast_in_dim3A_33 {strides = array<i32>} : memref<17408xf32, #tpu.memory_space<vmem>>, vector<16xf32>,
          %parallel_loop3A_200 = arith.constant 16 : i32
          %parallel_loop3A_201 = arith.muli %parallel_loop3A_154, %parallel_loop3A_200 : i32
          %parallel_loop3A_202 = arith.index_cast %parallel_loop3A_201 : i32 to index
          %parallel_loop3A_203 = tpu.vector_load %arg17[%parallel_loop3A_202] {strides = array<i32>} : memref<1024xf32, #tpu.memory_space<vmem>>, vector<16xf32>,
          %parallel_loop3A_204 = arith.maximumf %parallel_loop3A_203, %parallel_loop3A_197 : vector<16xf32>
          %parallel_loop3A_205 = arith.constant 16 : i32
          %parallel_loop3A_206 = arith.muli %parallel_loop3A_154, %parallel_loop3A_205 : i32
          %parallel_loop3A_207 = arith.index_cast %parallel_loop3A_206 : i32 to index
          %parallel_loop3A_208 = tpu.vector_load %arg17[%parallel_loop3A_207] {strides = array<i32>} : memref<1024xf32, #tpu.memory_space<vmem>>, vector<16xf32>,
          tpu.vector_store %arg17[%parallel_loop3A_207], %parallel_loop3A_204 {strides = array<i32>} : memref<1024xf32, #tpu.memory_space<vmem>>, vector<16xf32>,
        } {sc.loop_unroll_factor = 4 : i64, sc.parallel_access}
      }
      %while3A_119 = arith.constant 1 : i32
      scf.for %while3A_150 = %while3A_117 to %while3A_113 step %while3A_119  : i32 {
        %parallel_loop3A_151 = arith.constant 0 : i32
        %parallel_loop3A_152 = arith.constant 64 : i32
        %parallel_loop3A_153 = arith.constant 1 : i32
        scf.for %parallel_loop3A_154 = %parallel_loop3A_151 to %parallel_loop3A_152 step %parallel_loop3A_153  : i32 {
          %parallel_loop3A_155 = arith.constant 1024 : i32
          %parallel_loop3A_156 = arith.muli %while3A_150, %parallel_loop3A_155 : i32
          %parallel_loop3A_157 = arith.constant 16 : i32
          %parallel_loop3A_158 = arith.muli %parallel_loop3A_154, %parallel_loop3A_157 : i32
          %parallel_loop3A_159 = arith.addi %parallel_loop3A_156, %parallel_loop3A_158 : i32
          %parallel_loop3A_160 = arith.index_cast %parallel_loop3A_159 : i32 to index
          %parallel_loop3A_161 = tpu.vector_load %arg12[%parallel_loop3A_160] {strides = array<i32>} : memref<17408xf32, #tpu.memory_space<vmem>>, vector<16xf32>,
          %parallel_loop3A_162 = arith.index_cast %parallel_loop3A_159 : i32 to index
          %parallel_loop3A_163 = tpu.vector_load %arg12[%parallel_loop3A_162] {strides = array<i32>} : memref<17408xf32, #tpu.memory_space<vmem>>, vector<16xf32>,
          tpu.vector_store %arg12[%parallel_loop3A_162], %broadcast_in_dim3A_33 {strides = array<i32>} : memref<17408xf32, #tpu.memory_space<vmem>>, vector<16xf32>,
          %parallel_loop3A_164 = arith.constant 16 : i32
          %parallel_loop3A_165 = arith.muli %parallel_loop3A_154, %parallel_loop3A_164 : i32
          %parallel_loop3A_166 = arith.index_cast %parallel_loop3A_165 : i32 to index
          %parallel_loop3A_167 = tpu.vector_load %arg15[%parallel_loop3A_166] {strides = array<i32>} : memref<1024xf32, #tpu.memory_space<vmem>>, vector<16xf32>,
          %parallel_loop3A_168 = arith.maximumf %parallel_loop3A_167, %parallel_loop3A_161 : vector<16xf32>
          %parallel_loop3A_169 = arith.constant 16 : i32
          %parallel_loop3A_170 = arith.muli %parallel_loop3A_154, %parallel_loop3A_169 : i32
          %parallel_loop3A_171 = arith.index_cast %parallel_loop3A_170 : i32 to index
          %parallel_loop3A_172 = tpu.vector_load %arg15[%parallel_loop3A_171] {strides = array<i32>} : memref<1024xf32, #tpu.memory_space<vmem>>, vector<16xf32>,
          tpu.vector_store %arg15[%parallel_loop3A_171], %parallel_loop3A_168 {strides = array<i32>} : memref<1024xf32, #tpu.memory_space<vmem>>, vector<16xf32>,
          %parallel_loop3A_173 = arith.constant 1024 : i32
          %parallel_loop3A_174 = arith.muli %while3A_150, %parallel_loop3A_173 : i32
          %parallel_loop3A_175 = arith.constant 16 : i32
          %parallel_loop3A_176 = arith.muli %parallel_loop3A_154, %parallel_loop3A_175 : i32
          %parallel_loop3A_177 = arith.addi %parallel_loop3A_174, %parallel_loop3A_176 : i32
          %parallel_loop3A_178 = arith.index_cast %parallel_loop3A_177 : i32 to index
          %parallel_loop3A_179 = tpu.vector_load %arg13[%parallel_loop3A_178] {strides = array<i32>} : memref<17408xf32, #tpu.memory_space<vmem>>, vector<16xf32>,
          %parallel_loop3A_180 = arith.index_cast %parallel_loop3A_177 : i32 to index
          %parallel_loop3A_181 = tpu.vector_load %arg13[%parallel_loop3A_180] {strides = array<i32>} : memref<17408xf32, #tpu.memory_space<vmem>>, vector<16xf32>,
          tpu.vector_store %arg13[%parallel_loop3A_180], %broadcast_in_dim3A_33 {strides = array<i32>} : memref<17408xf32, #tpu.memory_space<vmem>>, vector<16xf32>,
          %parallel_loop3A_182 = arith.constant 16 : i32
          %parallel_loop3A_183 = arith.muli %parallel_loop3A_154, %parallel_loop3A_182 : i32
          %parallel_loop3A_184 = arith.index_cast %parallel_loop3A_183 : i32 to index
          %parallel_loop3A_185 = tpu.vector_load %arg16[%parallel_loop3A_184] {strides = array<i32>} : memref<1024xf32, #tpu.memory_space<vmem>>, vector<16xf32>,
          %parallel_loop3A_186 = arith.maximumf %parallel_loop3A_185, %parallel_loop3A_179 : vector<16xf32>
          %parallel_loop3A_187 = arith.constant 16 : i32
          %parallel_loop3A_188 = arith.muli %parallel_loop3A_154, %parallel_loop3A_187 : i32
          %parallel_loop3A_189 = arith.index_cast %parallel_loop3A_188 : i32 to index
          %parallel_loop3A_190 = tpu.vector_load %arg16[%parallel_loop3A_189] {strides = array<i32>} : memref<1024xf32, #tpu.memory_space<vmem>>, vector<16xf32>,
          tpu.vector_store %arg16[%parallel_loop3A_189], %parallel_loop3A_186 {strides = array<i32>} : memref<1024xf32, #tpu.memory_space<vmem>>, vector<16xf32>,
          %parallel_loop3A_191 = arith.constant 1024 : i32
          %parallel_loop3A_192 = arith.muli %while3A_150, %parallel_loop3A_191 : i32
          %parallel_loop3A_193 = arith.constant 16 : i32
          %parallel_loop3A_194 = arith.muli %parallel_loop3A_154, %parallel_loop3A_193 : i32
          %parallel_loop3A_195 = arith.addi %parallel_loop3A_192, %parallel_loop3A_194 : i32
          %parallel_loop3A_196 = arith.index_cast %parallel_loop3A_195 : i32 to index
          %parallel_loop3A_197 = tpu.vector_load %arg14[%parallel_loop3A_196] {strides = array<i32>} : memref<17408xf32, #tpu.memory_space<vmem>>, vector<16xf32>,
          %parallel_loop3A_198 = arith.index_cast %parallel_loop3A_195 : i32 to index
          %parallel_loop3A_199 = tpu.vector_load %arg14[%parallel_loop3A_198] {strides = array<i32>} : memref<17408xf32, #tpu.memory_space<vmem>>, vector<16xf32>,
          tpu.vector_store %arg14[%parallel_loop3A_198], %broadcast_in_dim3A_33 {strides = array<i32>} : memref<17408xf32, #tpu.memory_space<vmem>>, vector<16xf32>,
          %parallel_loop3A_200 = arith.constant 16 : i32
          %parallel_loop3A_201 = arith.muli %parallel_loop3A_154, %parallel_loop3A_200 : i32
          %parallel_loop3A_202 = arith.index_cast %parallel_loop3A_201 : i32 to index
          %parallel_loop3A_203 = tpu.vector_load %arg17[%parallel_loop3A_202] {strides = array<i32>} : memref<1024xf32, #tpu.memory_space<vmem>>, vector<16xf32>,
          %parallel_loop3A_204 = arith.maximumf %parallel_loop3A_203, %parallel_loop3A_197 : vector<16xf32>
          %parallel_loop3A_205 = arith.constant 16 : i32
          %parallel_loop3A_206 = arith.muli %parallel_loop3A_154, %parallel_loop3A_205 : i32
          %parallel_loop3A_207 = arith.index_cast %parallel_loop3A_206 : i32 to index
          %parallel_loop3A_208 = tpu.vector_load %arg17[%parallel_loop3A_207] {strides = array<i32>} : memref<1024xf32, #tpu.memory_space<vmem>>, vector<16xf32>,
          tpu.vector_store %arg17[%parallel_loop3A_207], %parallel_loop3A_204 {strides = array<i32>} : memref<1024xf32, #tpu.memory_space<vmem>>, vector<16xf32>,
        } {sc.loop_unroll_factor = 4 : i64, sc.parallel_access}
      }
      %mul3A_120 = arith.constant 8 : i32
      %mul3A_121 = arith.muli %select_n3A, %mul3A_120 : i32
      %add3A_122 = arith.addi %mul3A_121, %select_n3A_30 : i32
      %mul3A_123 = arith.constant 96 : i32
      %mul3A_124 = arith.muli %add3A_122, %mul3A_123 : i32
      %add3A_125 = arith.addi %mul3A_124, %mul3A_101 : i32
      %add3A_126 = arith.constant 0 : i32
      %add3A_127 = arith.addi %add3A_125, %add3A_126 : i32
      %mul3A_128 = arith.constant 1024 : i32
      %mul3A_129 = arith.muli %add3A_127, %mul3A_128 : i32
      "tpu.region"() ({
        %run_scoped3A = tpu.sem_alloc : memref<!tpu.dma_semaphore, #tpu.memory_space<semaphore_mem>>
        %dma_start3A_150 = tpu.memref_slice %arg4[%mul3A_129] : memref<3145728xf32, #tpu.memory_space<hbm>> -> memref<1024xf32, #tpu.memory_space<hbm>>
        %dma_start3A_151 = tpu.memref_slice %arg4[%mul3A_129] : memref<3145728xf32, #tpu.memory_space<hbm>> -> memref<1024xf32, #tpu.memory_space<hbm>>
        tpu.enqueue_dma source(%arg15 : memref<1024xf32, #tpu.memory_space<vmem>>) target(%dma_start3A_151 : memref<1024xf32, #tpu.memory_space<hbm>>) target_semaphore(%run_scoped3A : memref<!tpu.dma_semaphore, #tpu.memory_space<semaphore_mem>>)
        %dma_wait3A = tpu.memref_slice %arg4[%mul3A_129] : memref<3145728xf32, #tpu.memory_space<hbm>> -> memref<1024xf32, #tpu.memory_space<hbm>>
        %dma_wait3A_152 = tpu.memref_slice %arg4[%mul3A_129] : memref<3145728xf32, #tpu.memory_space<hbm>> -> memref<1024xf32, #tpu.memory_space<hbm>>
        tpu.wait_dma2 semaphore(%run_scoped3A : memref<!tpu.dma_semaphore, #tpu.memory_space<semaphore_mem>>) src(%arg15 : memref<1024xf32, #tpu.memory_space<vmem>>) dst(%dma_wait3A_152 : memref<1024xf32, #tpu.memory_space<hbm>>)
        tpu.yield
      }) : () -> ()
      %mul3A_130 = arith.constant 8 : i32
      %mul3A_131 = arith.muli %select_n3A, %mul3A_130 : i32
      %add3A_132 = arith.addi %mul3A_131, %select_n3A_30 : i32
      %mul3A_133 = arith.constant 96 : i32
      %mul3A_134 = arith.muli %add3A_132, %mul3A_133 : i32
      %add3A_135 = arith.addi %mul3A_134, %mul3A_101 : i32
      %add3A_136 = arith.constant 1 : i32
      %add3A_137 = arith.addi %add3A_135, %add3A_136 : i32
      %mul3A_138 = arith.constant 1024 : i32
      %mul3A_139 = arith.muli %add3A_137, %mul3A_138 : i32
      "tpu.region"() ({
        %run_scoped3A = tpu.sem_alloc : memref<!tpu.dma_semaphore, #tpu.memory_space<semaphore_mem>>
        %dma_start3A_150 = tpu.memref_slice %arg4[%mul3A_139] : memref<3145728xf32, #tpu.memory_space<hbm>> -> memref<1024xf32, #tpu.memory_space<hbm>>
        %dma_start3A_151 = tpu.memref_slice %arg4[%mul3A_139] : memref<3145728xf32, #tpu.memory_space<hbm>> -> memref<1024xf32, #tpu.memory_space<hbm>>
        tpu.enqueue_dma source(%arg16 : memref<1024xf32, #tpu.memory_space<vmem>>) target(%dma_start3A_151 : memref<1024xf32, #tpu.memory_space<hbm>>) target_semaphore(%run_scoped3A : memref<!tpu.dma_semaphore, #tpu.memory_space<semaphore_mem>>)
        %dma_wait3A = tpu.memref_slice %arg4[%mul3A_139] : memref<3145728xf32, #tpu.memory_space<hbm>> -> memref<1024xf32, #tpu.memory_space<hbm>>
        %dma_wait3A_152 = tpu.memref_slice %arg4[%mul3A_139] : memref<3145728xf32, #tpu.memory_space<hbm>> -> memref<1024xf32, #tpu.memory_space<hbm>>
        tpu.wait_dma2 semaphore(%run_scoped3A : memref<!tpu.dma_semaphore, #tpu.memory_space<semaphore_mem>>) src(%arg16 : memref<1024xf32, #tpu.memory_space<vmem>>) dst(%dma_wait3A_152 : memref<1024xf32, #tpu.memory_space<hbm>>)
        tpu.yield
      }) : () -> ()
      %mul3A_140 = arith.constant 8 : i32
      %mul3A_141 = arith.muli %select_n3A, %mul3A_140 : i32
      %add3A_142 = arith.addi %mul3A_141, %select_n3A_30 : i32
      %mul3A_143 = arith.constant 96 : i32
      %mul3A_144 = arith.muli %add3A_142, %mul3A_143 : i32
      %add3A_145 = arith.addi %mul3A_144, %mul3A_101 : i32
      %add3A_146 = arith.constant 2 : i32
      %add3A_147 = arith.addi %add3A_145, %add3A_146 : i32
      %mul3A_148 = arith.constant 1024 : i32
      %mul3A_149 = arith.muli %add3A_147, %mul3A_148 : i32
      "tpu.region"() ({
        %run_scoped3A = tpu.sem_alloc : memref<!tpu.dma_semaphore, #tpu.memory_space<semaphore_mem>>
        %dma_start3A_150 = tpu.memref_slice %arg4[%mul3A_149] : memref<3145728xf32, #tpu.memory_space<hbm>> -> memref<1024xf32, #tpu.memory_space<hbm>>
        %dma_start3A_151 = tpu.memref_slice %arg4[%mul3A_149] : memref<3145728xf32, #tpu.memory_space<hbm>> -> memref<1024xf32, #tpu.memory_space<hbm>>
        tpu.enqueue_dma source(%arg17 : memref<1024xf32, #tpu.memory_space<vmem>>) target(%dma_start3A_151 : memref<1024xf32, #tpu.memory_space<hbm>>) target_semaphore(%run_scoped3A : memref<!tpu.dma_semaphore, #tpu.memory_space<semaphore_mem>>)
        %dma_wait3A = tpu.memref_slice %arg4[%mul3A_149] : memref<3145728xf32, #tpu.memory_space<hbm>> -> memref<1024xf32, #tpu.memory_space<hbm>>
        %dma_wait3A_152 = tpu.memref_slice %arg4[%mul3A_149] : memref<3145728xf32, #tpu.memory_space<hbm>> -> memref<1024xf32, #tpu.memory_space<hbm>>
        tpu.wait_dma2 semaphore(%run_scoped3A : memref<!tpu.dma_semaphore, #tpu.memory_space<semaphore_mem>>) src(%arg17 : memref<1024xf32, #tpu.memory_space<vmem>>) dst(%dma_wait3A_152 : memref<1024xf32, #tpu.memory_space<hbm>>)
        tpu.yield
      }) : () -> ()
    }
    %scan3A_98 = arith.constant 32 : i32
    return
  }
}

module attributes {stable_mosaic.version = 14 : i64} {
  func.func @_merge_body(%arg0: i32, %arg1: memref<1x8x96x1024xf32, #tpu.memory_space<vmem>>, %arg2: memref<1x96x1024xf32, #tpu.memory_space<vmem>>) attributes {dimension_semantics = [#tpu.dimension_semantics<arbitrary>], iteration_bounds = array<i64: 4>, scalar_prefetch = 0 : i64, scratch_operands = 0 : i64, tpu.core_type = #tpu.core_type<tc>, window_params = [{transform_indices = @transform_0, window_bounds = array<i64: 1, 8, 96, 1024>}, {transform_indices = @transform_1, window_bounds = array<i64: 1, 96, 1024>}]} {
    %get3A = arith.constant 0 : index
    %get3A_0 = arith.constant 0 : index
    %get3A_1 = arith.constant 0 : index
    %get3A_2 = arith.constant 0 : index
    %get3A_3 = vector.load %arg1[%get3A, %get3A_0, %get3A_1, %get3A_2] : memref<1x8x96x1024xf32, #tpu.memory_space<vmem>>, vector<1x8x96x1024xf32>
    %reduce_max3A = arith.constant dense<0xFF800000> : vector<1x96x1024xf32>
    %reduce_max3A_4 = vector.multi_reduction <maximumf>, %get3A_3, %reduce_max3A [1] : vector<1x8x96x1024xf32> to vector<1x96x1024xf32>
    %swap3A = arith.constant 0 : index
    %swap3A_5 = arith.constant 0 : index
    %swap3A_6 = arith.constant 0 : index
    %swap3A_7 = vector.load %arg2[%swap3A, %swap3A_5, %swap3A_6] : memref<1x96x1024xf32, #tpu.memory_space<vmem>>, vector<1x96x1024xf32>
    tpu.vector_store %arg2[%swap3A, %swap3A_5, %swap3A_6], %reduce_max3A_4 {strides = array<i32>} : memref<1x96x1024xf32, #tpu.memory_space<vmem>>, vector<1x96x1024xf32>,
    return
  }
  func.func @transform_0(%arg0: i32) -> (i32, i32, i32, i32) {
    %c0_i32 = arith.constant 0 : i32
    %c0_i32_0 = arith.constant 0 : i32
    %c0_i32_1 = arith.constant 0 : i32
    %c0_i32_2 = arith.constant 0 : i32
    return %arg0, %c0_i32, %c0_i32_0, %c0_i32_1 : i32, i32, i32, i32
  }
  func.func @transform_1(%arg0: i32) -> (i32, i32, i32) {
    %c0_i32 = arith.constant 0 : i32
    %c0_i32_0 = arith.constant 0 : i32
    %c0_i32_1 = arith.constant 0 : i32
    return %arg0, %c0_i32, %c0_i32_0 : i32, i32, i32
  }
}

</mosaic_0001>

<sc_bundles>
// kernel: kernel.4.cloned.1.call-start
scs
__scs_entry_jumppad:
0x0: {  	(pc) =	sbr.rel $0x88, $3  }
0x1: {  	(tag) =	ssettag $0x0;
	lr =	simm.s32 $0x1  }
0x2: {  	[smem:$0x3F9F] =	sst lr;
	_ =	strace $0xD0000000  }
0x3: {  	_ = 	snop  }
0x4: {  	_ = 	snop  }
0x5: {  	_ = 	snop  }
0x6: {  	_ = 	snop  }
0x7: {  	_ = 	snop  }
__scs_overlays_trampoline_lowered:
0x8: {  	[smem:$0x3FAE] =	sst s0  }
0x9: {  	[smem:$0x3FAF] =	sst s1  }
0xa: {  	[smem:$0x3FB0] =	sst s2  }
0xb: {  	[smem:$0x3FB1] =	sst s3  }
0xc: {  	[smem:$0x3FB2] =	sst s4  }
0xd: {  	[smem:$0x3FB3] =	sst s5  }
0xe: {  	[smem:$0x3FB4] =	sst s6  }
0xf: {  	[smem:$0x3FB5] =	sst s7  }
0x10: {  	[smem:$0x3FB6] =	sst s8  }
0x11: {  	[smem:$0x3FB7] =	sst s9;
	s0 =	simm.s32 @!p0 $0x0  }
0x12: {  	s1 =	sld [smem:$0x3F9D];
	s0 =	simm.s32 @p0 $0x1  }
0x13: {  	[smem:$0x3FB8] =	sst s0;
	s0 =	simm.s32 @!p1 $0x0  }
0x14: {  	s2 =	sld [smem:$0x3F9C];
	s0 =	simm.s32 @p1 $0x1  }
0x15: {  	[smem:$0x3FB9] =	sst s0;
	s0 =	simm.s32 @!p2 $0x0  }
0x16: {  	s3 =	sld [smem:$0x3FDB];
	s0 =	simm.s32 @p2 $0x1  }
0x17: {  	s4 =	simm.s32 $0x1BF5;
	[smem:$0x3FBB] =	sst s0  }
0x18: {  	s0 =	sld [smem:$0x3F9E];
	_ =	swait.ge [sflag:s4], $0x0  }
0x19: {  	s7 =	sld [smem:$0x3F9F]  }
0x1a: {  	s8 =	sadd.s32 $0xFFFFE003, lr  }
0x1b: {  	s9 =	sadd.s32 $0xFFFFFEF7, lr;
	s5 =	simm.s32 $0xFFFFFFFF;
	p2 =	slt.u32 s8, $0xFFFFF086  }
0x1c: {  	p1 =	slt.u32 s9, $0xF7A;
	s5 =	simm.s32 @!p2 $0x0  }
0x1d: {  	s5 =	simm.s32 @p1 $0x1;
	p0 =	seq.s32 s7, s2  }
0x1e: {  	s7 =	smul.u32 @!p0 $0xF7A, s2;
	p2 =	seq.s32 @!p0 s5, $0x0  }
0x1f: {  	s9 =	smul.u32 $0xF7A, s1;
	s8 =	simm.s32 @!p0 $0x1BF5;
	p2 =	por !p2, p0  }
0x20: {  	[sflag:s8] =	ssyncset.s32 @!p0 $0xFFFFF086;
	s6 =	sadd.s32 @!p0 s3, s7;
	s7 =	simm.s32 @!p0 $0x108  }
0x21: {  	s3 =	sadd.s32 s3, s9;
	s6 =	sadd.s32 @!p0 $0x88, s6;
	s7 =	simm.s32 @p2 $0x1082  }
0x22: {  	[simem:s7], [sflag:s8] =	dma.local @!p0 [hbm:s6], $0xF7A  }
0x23: {  	s9 =	sor.u32 $0xD0000000, s2;
	s6 =	simm.s32 $0x108;
	_ =	swait.ge @!p0 [sflag:s8], $0x0  }
0x24: {  	s3 =	sadd.s32 $0x88, s3;
	s6 =	simm.s32 @!p1 $0x1082;
	[sflag:s4] =	ssyncset.s32 $0xFFFFF086  }
0x25: {  	[simem:s6], [sflag:s4] =	dma.local [hbm:s3], $0xF7A  }
0x26: {  	[smem:$0x3F9F] =	sst s1;
	(tag) =	ssettag s2;
	_ =	strace s9  }
0x27: {  	s1 =	sld [smem:$0x3FAF]  }
0x28: {  	s2 =	sld [smem:$0x3FB0]  }
0x29: {  	s4 =	sld [smem:$0x3FB2]  }
0x2a: {  	p0 =	seq.s32 s5, $0x0;
	s5 =	sld [smem:$0x3FB3]  }
0x2b: {  	s6 =	sld [smem:$0x3FB4]  }
0x2c: {  	s7 =	sld [smem:$0x3FB5]  }
0x2d: {  	s3 =	simm.s32 $0x108;
	s8 =	sld [smem:$0x3FB6]  }
0x2e: {  	s3 =	simm.s32 @!p0 $0x1082;
	s9 =	sld [smem:$0x3FB7]  }
0x2f: {  	lr =	sadd.s32 s0, s3;
	s0 =	sld [smem:$0x3FAE]  }
0x30: {  	s3 =	sld [smem:$0x3FB1]  }
0x31: {  	[smem:$0x3FBA] =	sst s10  }
0x32: {  	s10 =	sld [smem:$0x3FB8];
	_ =	sdelay $0x3  }
0x33: {  	p0 =	seq.s32 s10, $0x1;
	s10 =	sld [smem:$0x3FBA];
	_ =	sdelay $0x3  }
0x34: {  	[smem:$0x3FBA] =	sst s10  }
0x35: {  	s10 =	sld [smem:$0x3FB9];
	_ =	sdelay $0x3  }
0x36: {  	p1 =	seq.s32 s10, $0x1;
	s10 =	sld [smem:$0x3FBA];
	_ =	sdelay $0x3  }
0x37: {  	[smem:$0x3FBA] =	sst s10  }
0x38: {  	s10 =	sld [smem:$0x3FBB]  }
0x39: {  	_ = 	snop;
	(pc) =	sbr.ind lr, $3  }
0x3a: {  	_ = 	snop  }
0x3b: {  	_ = 	snop  }
0x3c: {  	p2 =	seq.s32 s10, $0x1;
	s10 =	sld [smem:$0x3FBA]  }
0x3d: {  	_ =	shalt  }
0x3e: {  	_ =	shalt  }
0x3f: {  	_ =	shalt  }
0x40: {  	_ =	shalt  }
0x41: {  	_ =	shalt  }
0x42: {  	_ =	shalt  }
0x43: {  	_ =	shalt  }
0x44: {  	_ =	shalt  }
0x45: {  	_ =	shalt  }
0x46: {  	_ =	shalt  }
0x47: {  	_ =	shalt  }
0x48: {  	_ =	shalt  }
0x49: {  	_ =	shalt  }
0x4a: {  	_ =	shalt  }
0x4b: {  	_ =	shalt  }
0x4c: {  	_ =	shalt  }
0x4d: {  	_ =	shalt  }
0x4e: {  	_ =	shalt  }
0x4f: {  	_ =	shalt  }
0x50: {  	_ =	shalt  }
0x51: {  	_ =	shalt  }
0x52: {  	_ =	shalt  }
0x53: {  	_ =	shalt  }
0x54: {  	_ =	shalt  }
0x55: {  	_ =	shalt  }
0x56: {  	_ =	shalt  }
0x57: {  	_ =	shalt  }
0x58: {  	_ =	shalt  }
0x59: {  	_ =	shalt  }
0x5a: {  	_ =	shalt  }
0x5b: {  	_ =	shalt  }
0x5c: {  	_ =	shalt  }
0x5d: {  	_ =	shalt  }
0x5e: {  	_ =	shalt  }
0x5f: {  	_ =	shalt  }
0x60: {  	_ =	shalt  }
0x61: {  	_ =	shalt  }
0x62: {  	_ =	shalt  }
0x63: {  	_ =	shalt  }
0x64: {  	_ =	shalt  }
0x65: {  	_ =	shalt  }
0x66: {  	_ =	shalt  }
0x67: {  	_ =	shalt  }
0x68: {  	_ =	shalt  }
0x69: {  	_ =	shalt  }
0x6a: {  	_ =	shalt  }
0x6b: {  	_ =	shalt  }
0x6c: {  	_ =	shalt  }
0x6d: {  	_ =	shalt  }
0x6e: {  	_ =	shalt  }
0x6f: {  	_ =	shalt  }
0x70: {  	_ =	shalt  }
0x71: {  	_ =	shalt  }
0x72: {  	_ =	shalt  }
0x73: {  	_ =	shalt  }
0x74: {  	_ =	shalt  }
0x75: {  	_ =	shalt  }
0x76: {  	_ =	shalt  }
0x77: {  	_ =	shalt  }
0x78: {  	_ =	shalt  }
0x79: {  	_ =	shalt  }
0x7a: {  	_ =	shalt  }
0x7b: {  	_ =	shalt  }
0x7c: {  	_ =	shalt  }
0x7d: {  	_ =	shalt  }
0x7e: {  	_ =	shalt  }
0x7f: {  	_ =	shalt  }
0x80: {  	_ =	shalt  }
0x81: {  	_ =	shalt  }
0x82: {  	_ =	shalt  }
0x83: {  	_ =	shalt  }
0x84: {  	_ =	shalt  }
0x85: {  	_ =	shalt  }
0x86: {  	_ =	shalt  }
0x87: {  	_ =	shalt  }
.Lfunc_end0:
.L_simem_size_0:
called_computation_lowered:
.L_overlay_start_0:
0x88: {  	s2 =	sld [smem:$0x3FD9]  }
0x89: {  	s3 =	sld [smem:$0x3FFE];
	_ =	sdelay $0x1  }
0x8a: {  	s1 =	srdreg.scid  }
0x8b: {  	s0 =	sand.u32 $0x1, s1  }
0x8c: {  	s17 =	sshll.u32 s0, $0xA;
	s2 =	sadd.s32 s3, s2  }
0x8d: {  	s2 =	sadd.s32 s2, s17  }
0x8e: {  	[smem:$0x3FC6] =	sst s2  }
0x8f: {  	_ = 	snop  }
0x90: {  	s2 =	sld [smem:$0x3FC9]  }
0x91: {  	s18 =	sld [smem:$0x3FC8];
	(tm) =	ssettm $0x1  }
0x92: {  	s4 =	sld [smem:$0x3FFB];
	_ =	sdelay $0x3  }
0x93: {  	_ =	strace s4  }
0x94: {  	s4 =	sld [smem:$0x3FFC];
	_ =	sdelay $0x3  }
0x95: {  	_ =	strace s4  }
0x96: {  	s4 =	sld [smem:$0x3FFD];
	_ =	sdelay $0x3  }
0x97: {  	_ =	strace s4  }
0x98: {  	_ =	strace $0x8FFFFFFF  }
0x99: {  	s19 =	sld [smem:$0x3FDB];
	_ =	sdelay $0x1  }
0x9a: {  	s5 =	simm.s32 $_scs_section_size  }
0x9b: {  	s6 =	simm.s32 $_size__tile_overlayer_lowered;
	s7 =	simm.s32 $_tile_overlayer_lowered  }
0x9c: {  	s22 =	simm.s32 $0x1BFF;
	s21 =	sshll.u32 s7, $0x1;
	s4 =	sadd.s32 s5, s19  }
0x9d: {  	s8 =	simm.s32 $0x0;
	s20 =	sshll.u32 s6, $0x1;
	s6 =	sadd.s32 s21, s4  }
0x9e: {  	[timem:s8], [sflag:s22] =	dma.local [hbm:s6], s20  }
0x9f: {  	_ =	swait.ge [sflag:s22], s20  }
0xa0: {  	s5 =	ssub.s32 $0x0, s20;
	[sflag:s22] =	ssyncset.done $0x0  }
0xa1: {  	[sflag:s22] =	ssyncadd.s32 s5;
	_ =	sdelay $0x1  }
0xa2: {  	s23 =	simm.s32 $0x1B8B  }
0xa3: {  	_ =	swait.ge [sflag:s23], $0x1  }
0xa4: {  	[sflag:s23] =	ssyncset.done $0x0  }
0xa5: {  	s25 =	simm.s32 $0x1B8E;
	s24 =	sld [smem:$0x3FFE];
	[sflag:s23] =	ssyncadd.s32 $0xFFFFFFFF  }
0xa6: {  	s26 =	simm.s32 $execute0_lowered;
	[smem:$0x3FD2] =	sst s25  }
0xa7: {  	s6 =	sshll.u32 s26, $0x1;
	_ =	strace $0x80000046;
	[dreg:$0x1] =	wrdreg $0xFFFFFFFF  }
0xa8: {  	s28 =	simm.s32 $_size_execute0_lowered;
	s4 =	sadd.s32 s4, s6;
	[dreg:$0x0] =	wrdreg $0x0  }
0xa9: {  	s6 =	sshll.u32 s28, $0x1;
	[dreg:$0x2] =	wrdreg s4  }
0xaa: {  	[dreg:$0x3] =	wrdreg s6  }
0xab: {  	[dreg:$0x4] =	wrdreg $0xC0  }
0xac: {  	_ =	task [dreg:s8], $0x5FFFF  }
0xad: {  	[dreg:$0x1] =	wrdreg $0xFFFFFFFF  }
0xae: {  	[dreg:$0x0] =	wrdreg $0x60  }
0xaf: {  	[dreg:$0x2] =	wrdreg s2  }
0xb0: {  	[dreg:$0x3] =	wrdreg s18  }
0xb1: {  	[dreg:$0x4] =	wrdreg s24  }
0xb2: {  	[dreg:$0x5] =	wrdreg $0x9  }
0xb3: {  	_ =	task.clear_ibuf [dreg:s8], $0x6FFFF;
	_ =	strace $0x90000046  }
0xb4: {  	s29 =	simm.s32 $0x9;
	_ =	strace $0x80000048  }
0xb5: {  	_ =	swait.ge [sflag:s29], $0x1  }
0xb6: {  	[sflag:s29] =	ssyncadd.s32 $0xFFFFFFFF  }
0xb7: {  	_ =	strace $0x90000048  }
0xb8: {  	_ =	sfence  }
0xb9: {  	s30 =	sld [smem:$0x0];
	_ =	sdelay $0x2  }
0xba: {  	s31 =	sshll.u32 s1, $0xD;
	s1 =	sshrl.u32 s1, $0x2  }
0xbb: {  	s3 =	sand.u32 $0x4000, s31;
	s1 =	sadd.s32 s1, s30  }
0xbc: {  	s0 =	sor.u32 s3, s0;
	s1 =	sshll.u32 s1, $0x11  }
0xbd: {  	s0 =	sor.u32 s1, s0  }
0xbe: {  	s0 =	sadd.s32 $0x8F2B, s0  }
0xbf: {  	[sflag:s0] =	ssyncadd.remote.s32 $0x1  }
0xc0: {  	_ =	sfence.sel $0xFFFF  }
0xc1: {  	[dreg:$0x0] =	wrdreg $0xFFFFFFFF;
	(pc) =	sbr.abs _section_cstart, $3  }
0xc2: {  	[dreg:$0x1] =	wrdreg $0xFFFFFFFF  }
0xc3: {  	_ =	task.clear_ibuf [dreg:s8], $0x2FFFF;
	_ =	strace $0x9FFFFFFF  }
0xc4: {  	(tm) =	ssettm $0x7FFFFFFF  }
0xc5: {  	_ =	shalt  }
tec
execute0_lowered:
.L_overlay_start_1:
0x0: {  	(tag) =	ssettag $0x1  }
0x1: {  	s1 =	rddreg [dreg:$0x0]  }
0x2: {  	s0 =	rddreg [dreg:$0x1]  }
0x3: {  	s2 =	rddreg [dreg:$0x2];
	s3 =	simm.s32 $0x0  }
0x4: {  	s9 =	simm.s32 $0x0;
	s5 =	stileid.u32;
	s16 =	srdreg.scid  }
0x5: {  	s31 =	simm.s32 $0xE000;
	[smem:$0x7FF] =	sst s3;
	s4 =	sshll.u32 s5, $0x1  }
0x6: {  	s3 =	sand.u32 $0x1, s16;
	s5 =	sshrl.u32 s5, $0x2;
	s6 =	sadd.s32 $0x400, s2  }
0x7: {  	s28 =	sadd.s32 $0x480, s2;
	s29 =	sadd.s32 $0x500, s2;
	s2 =	simm.s32 $0x16800  }
0x8: {  	_ =	strace $0x80000047;
	s4 =	sand.u32 $0x6, s4;
	s17 =	smul.u32 $0x1800000, s5  }
0x9: {  	[dreg:$0x4] =	wrdreg s6;
	s7 =	sshll.u32 s5, $0x12;
	s21 =	smul.u32 $0x60, s5  }
0xa: {  	s24 =	sshll.u32 s5, $0x3;
	[dreg:$0x11] =	wrdreg s28;
	s4 =	sor.u32 s3, s4  }
0xb: {  	[dreg:$0x12] =	wrdreg s29;
	s3 =	ssub.s32 $0x2, s3;
	s10 =	sshll.u32 s4, $0xF  }
0xc: {  	s8 =	sshrl.u32 s3, $0x1;
	s19 =	sshll.u32 s4, $0x6;
	[dreg:$0x9] =	wrdreg s21  }
0xd: {  	s26 =	sor.u32 $0x3, s21;
	s21 =	simm.s32 $0x2;
	[dreg:$0x5] =	wrdreg s10  }
0xe: {  	s7 =	sor.u32 s7, s10;
	s6 =	sor.u32 s17, s10;
	[dreg:$0x6] =	wrdreg s19  }
0xf: {  	s3 =	ssub.s32 s3, s8;
	s22 =	sor.u32 $0x40000, s10;
	[dreg:$0xf] =	wrdreg s26  }
0x10: {  	s23 =	sor.u32 $0x80000, s10;
	s25 =	sor.u32 $0x10, s19;
	[dreg:$0xc] =	wrdreg s22  }
0x11: {  	s26 =	simm.s32 $0x5;
	s7 =	sshrl.u32 s7, $0x3;
	[dreg:$0xd] =	wrdreg s23  }
0x12: {  	s18 =	sshrl.u32 s6, $0x3;
	[dreg:$0xe] =	wrdreg s25;
	s30 =	smax.u32 s3, $0x1  }
0x13: {  	s0 =	sadd.s32 s0, s7;
	s20 =	sadd.s32 s1, s18;
	[dreg:$0x13] =	wrdreg s30  }
.Ltmp0:
0x14: {  	[dreg:$0x7] =	wrdreg s0;
	s0 =	sadd.s32 $0x10000, s20;
	(pc) =	sbr.rel .LBB2_1-.Ltmp0, $4  }
0x15: {  	s25 =	simm.s32 $0x3;
	[dreg:$0xb] =	wrdreg s0;
	s0 =	sor.u32 s24, s4  }
0x16: {  	s8 =	sadd.s32 $0x8000, s20;
	[dreg:$0x8] =	wrdreg s20;
	s0 =	smul.u32 $0x60, s0  }
0x17: {  	s22 =	simm.s32 $0x4;
	s23 =	simm.s32 $0x6;
	[dreg:$0xa] =	wrdreg s8  }
0x18: {  	v0 =	vimm.f32 $-Inf;
	s4 =	simm.s32 $0x0;
	[dreg:$0x10] =	wrdreg s0;
	s0 =	simm.s32 $0x12400  }
.LBB2_20:
0x19: {  	s4 =	rddreg [dreg:$0x14]  }
0x1a: {  	s3 =	rddreg [dreg:$0x13];
	s4 =	sadd.s32 $0x1, s4  }
0x1b: {  	p0 =	sne.s32 s4, s3  }
.Ltmp1:
0x1c: {  	_ = 	snop;
	(pc) =	sbr.rel @!p0 .LBB2_21-.Ltmp1, $1  }
0x1d: {  	_ =	sdelay $0x3  }
.LBB2_1:
0x1e: {  	[dreg:$0x14] =	wrdreg s4  }
0x1f: {  	s3 =	rddreg [dreg:$0x7];
	s30 =	simm.s32 $0x7  }
0x20: {  	[tilespmem:s9], [sflag:$0x7] =	stream.linear.gather [hbm4b:s3+s9], $0x8000, $0x38;
	[tilespmem:$0x1B800] =	vst v63  }
0x21: {  	_ =	swait.ge [sflag:s30], $0x8000  }
0x22: {  	[sflag:s30] =	ssyncset.done $0x0  }
0x23: {  	s4 =	simm.s32 $0xE040;
	[sflag:s30] =	ssyncadd.s32 $0xFFFF8000  }
0x24: {  	[tilespmem:s4+$0xFFFFFFD0] =	vst v0  }
0x25: {  	[tilespmem:s4+$0x0] =	vst v0  }
0x26: {  	[tilespmem:s4+$0xFFFFFFC0] =	vst v0  }
0x27: {  	[tilespmem:s4+$0x30] =	vst v0  }
0x28: {  	[tilespmem:s4+$0xFFFFFFF0] =	vst v0  }
0x29: {  	[tilespmem:s4+$0xFFFFFFE0] =	vst v0  }
0x2a: {  	[tilespmem:s4+$0x10] =	vst v0  }
0x2b: {  	s5 =	simm.s32 $0x12440;
	[tilespmem:s4+$0x20] =	vst v0  }
0x2c: {  	[tilespmem:s5+$0xFFFFFFC0] =	vst v0  }
0x2d: {  	[tilespmem:s5+$0x30] =	vst v0  }
0x2e: {  	[tilespmem:s5+$0x0] =	vst v0  }
0x2f: {  	[tilespmem:s5+$0x20] =	vst v0  }
0x30: {  	[tilespmem:s5+$0x10] =	vst v0  }
0x31: {  	[tilespmem:s5+$0xFFFFFFD0] =	vst v0  }
0x32: {  	[tilespmem:s5+$0xFFFFFFE0] =	vst v0  }
0x33: {  	s3 =	simm.s32 $0x16840;
	[tilespmem:s5+$0xFFFFFFF0] =	vst v0  }
0x34: {  	[tilespmem:s3+$0xFFFFFFC0] =	vst v0  }
0x35: {  	[tilespmem:s3+$0x30] =	vst v0  }
0x36: {  	[tilespmem:s3+$0x20] =	vst v0  }
0x37: {  	[tilespmem:s3+$0x10] =	vst v0  }
0x38: {  	s8 =	simm.s32 $0x0;
	s9 =	simm.s32 $0x168C0;
	[tilespmem:s3+$0xFFFFFFD0] =	vst v0  }
.LBB2_2:
0x39: {  	s8 =	sadd.s32 $0x8, s8;
	[tilespmem:s3+$0xFFFFFFE0] =	vst v0;
	s4 =	sadd.s32 $0x80, s4;
	s5 =	sadd.s32 $0x80, s5;
	v1 =	vimm.s32 $0x0  }
0x3a: {  	p0 =	slt.u32 s8, $0x438;
	[tilespmem:s3+$0x0] =	vst v0  }
0x3b: {  	[tilespmem:s3+$0xFFFFFFF0] =	vst v0;
	s3 =	smov.u32 s9  }
0x3c: {  	[tilespmem:s4+$0xFFFFFFD0] =	vst v0  }
0x3d: {  	[tilespmem:s4+$0x0] =	vst v0  }
0x3e: {  	[tilespmem:s4+$0xFFFFFFC0] =	vst v0  }
0x3f: {  	[tilespmem:s5+$0xFFFFFFC0] =	vst v0  }
0x40: {  	[tilespmem:s9+$0xFFFFFFC0] =	vst v0  }
0x41: {  	[tilespmem:s4+$0x30] =	vst v0  }
0x42: {  	[tilespmem:s5+$0x30] =	vst v0  }
0x43: {  	[tilespmem:s9+$0x30] =	vst v0  }
0x44: {  	[tilespmem:s5+$0x0] =	vst v0  }
0x45: {  	[tilespmem:s4+$0xFFFFFFF0] =	vst v0  }
0x46: {  	[tilespmem:s4+$0xFFFFFFE0] =	vst v0  }
0x47: {  	[tilespmem:s4+$0x10] =	vst v0  }
0x48: {  	[tilespmem:s4+$0x20] =	vst v0  }
0x49: {  	[tilespmem:s5+$0x20] =	vst v0  }
0x4a: {  	[tilespmem:s9+$0x20] =	vst v0  }
0x4b: {  	[tilespmem:s5+$0x10] =	vst v0  }
.Ltmp2:
0x4c: {  	[tilespmem:s9+$0x10] =	vst v0;
	(pc) =	sbr.rel @p0 .LBB2_2-.Ltmp2, $4  }
0x4d: {  	[tilespmem:s5+$0xFFFFFFD0] =	vst v0  }
0x4e: {  	[tilespmem:s5+$0xFFFFFFE0] =	vst v0  }
0x4f: {  	[tilespmem:s9+$0xFFFFFFD0] =	vst v0  }
0x50: {  	s7 =	simm.s32 $0x0;
	s9 =	sadd.s32 $0x80, s9;
	[tilespmem:s5+$0xFFFFFFF0] =	vst v0  }
0x51: {  	s4 =	simm.s32 $0x0  }
0x52: {  	s5 =	simm.s32 $0x0;
	s8 =	sand.u32 $0xC00, s7;
	s4 =	sand.u32 $0x7000, s4  }
0x53: {  	[tilespmem:s3+$0xFFFFFFE0] =	vst v0;
	s5 =	sand.u32 $0x380, s5;
	s4 =	sor.u32 s8, s4  }
0x54: {  	[tilespmem:s3+$0x0] =	vst v0;
	s30 =	sand.u32 $0x70, s7;
	s4 =	sor.u32 s5, s4  }
0x55: {  	[tilespmem:s3+$0xFFFFFFF0] =	vst v0;
	s3 =	sor.u32 s30, s4  }
0x56: {  	v2 =	vld [tilespmem:s3+$0x0];
	_ =	sdelay $0x4  }
0x57: {  	(xrf1) =	vunique.msk.u32 $0xffff, v2;
	_ =	sdelay $0xb  }
0x58: {  	s9 =	simm.s32 $0x10  }
0x59: {  	s8 =	simm.s32 $0x4;
	s5 =	simm.s32 $0x2;
	s4 =	simm.s32 $0x80  }
.LBB2_4:
0x5a: {  	p0 =	sne.s32 s5, $0x7FF;
	s9 =	sand.u32 $0x7000, s9;
	s10 =	sand.u32 $0xC00, s4;
	_, v3, _ =	vpop (xrf1)  }
0x5b: {  	s8 =	sand.u32 $0x380, s8;
	s7 =	sadd.s32 $0x10, s7;
	s9 =	sor.u32 s10, s9;
	v4 =	vshll.u32 v3, $0xA;
	vm0 =	vgt.s32 v1, v3  }
0x5c: {  	s10 =	sand.u32 $0x70, s7;
	s8 =	sor.u32 s8, s9;
	v2 =	vadd.s32 v2, v4;
	v1 =	vsel vm0, v1, v3  }
0x5d: {  	[tilespmem:s3+$0x0] =	vst v2;
	s3 =	sor.u32 s10, s8  }
0x5e: {  	v2 =	vld [tilespmem:s3+$0x0];
	_ =	sdelay $0x4  }
0x5f: {  	(xrf1) =	vunique.msk.u32 $0xffff, v2;
	_ =	sdelay $0x8  }
.Ltmp3:
0x60: {  	(pc) =	sbr.rel @p0 .LBB2_4-.Ltmp3, $3  }
0x61: {  	_ =	sdelay $0x1  }
0x62: {  	s4 =	sadd.s32 $0x80, s4  }
0x63: {  	s9 =	sshll.u32 s5, $0x4;
	s8 =	sshll.u32 s5, $0x2;
	s5 =	sadd.s32 $0x1, s5  }
0x64: {  	s5 =	sand.u32 $0x7000, s9;
	s4 =	sand.u32 $0xC00, s4;
	_, v3, _ =	vpop (xrf1)  }
0x65: {  	s8 =	sand.u32 $0x380, s8;
	s16 =	sadd.s32 $0x10, s7;
	s4 =	sor.u32 s4, s5;
	v4 =	vshll.u32 v3, $0xA  }
0x66: {  	s5 =	sand.u32 $0x70, s16;
	s4 =	sor.u32 s8, s4;
	v2 =	vadd.s32 v2, v4  }
0x67: {  	s4 =	sor.u32 s5, s4;
	[tilespmem:s3+$0x0] =	vst v2  }
0x68: {  	v2 =	vld [tilespmem:s4+$0x0];
	_ =	sdelay $0x4  }
0x69: {  	(xrf1) =	vunique.msk.u32 $0xffff, v2;
	_ =	sdelay $0xc  }
0x6a: {  	vm0 =	vgt.s32 v1, v3  }
0x6b: {  	v1 =	vsel vm0, v1, v3;
	_, v3, _ =	vpop (xrf1)  }
0x6c: {  	vm0 =	vgt.s32 v1, v3  }
0x6d: {  	v1 =	vsel vm0, v1, v3  }
0x6e: {  	v1 =	vxor.u32 $0x80000000, v1  }
0x6f: {  	(xrf0) =	vmax.scan.msk.u32 $0xffff, v1;
	_ =	sdelay $0x5  }
0x70: {  	v1, _, _ =	vpop (xrf0)  }
0x71: {  	(v2sf) =	vpush v1, $0xF;
	_ =	sdelay $0x6  }
0x72: {  	v1 =	vshll.u32 v3, $0xA  }
0x73: {  	v1 =	vadd.s32 v2, v1  }
0x74: {  	s7 =	simm.s32 $0x0;
	s17 =	rddreg [dreg:$0x8];
	s18 =	simm.s32 $0x8000;
	[tilespmem:s4+$0x0] =	vst v1  }
0x75: {  	[tilespmem:s18], [sflag:$0x1] =	stream.linear.gather [hbm4b:s17+s7], $0x1000, $0x38;
	[tilespmem:$0x1B800] =	vst v63  }
0x76: {  	s19 =	rddreg [dreg:$0xa];
	s20 =	simm.s32 $0xA000  }
0x77: {  	[tilespmem:s20], [sflag:$0x3] =	stream.linear.gather [hbm4b:s19+s7], $0x1000, $0x38;
	[tilespmem:$0x1B800] =	vst v63  }
.Ltmp4:
0x78: {  	s28 =	rddreg [dreg:$0xb];
	s29 =	simm.s32 $0xC000;
	(pc) =	sbr.rel .LBB2_6-.Ltmp4, $4  }
0x79: {  	[tilespmem:s29], [sflag:$0x5] =	stream.linear.gather [hbm4b:s28+s7], $0x1000, $0x38;
	[tilespmem:$0x1B800] =	vst v63  }
0x7a: {  	s24 =	spop (v2sf)  }
0x7b: {  	s30 =	sadd.s32 $0x80000001, s24  }
0x7c: {  	p0 =	slt.s32 s30, $0x2;
	[dreg:$0x16] =	wrdreg s30  }
.LBB2_19:
0x7d: {  	s3 =	rddreg [dreg:$0x10]  }
0x7e: {  	s4 =	rddreg [dreg:$0x17]  }
0x7f: {  	s3 =	sadd.s32 s3, s4  }
0x80: {  	s3 =	sshll.u32 s3, $0x7  }
0x81: {  	s5 =	rddreg [dreg:$0x4];
	s19 =	simm.s32 $0x0;
	s18 =	sand.u32 $0x1FFFFF80, s3  }
0x82: {  	s6 =	simm.s32 $0x1AC00;
	s20 =	simm.s32 $0x7;
	s4 =	sadd.s32 s5, s18  }
0x83: {  	[hbm4b:s4+s19] =	stream.linear.scatter [tilespmem:s6], [sflag:$0x7], $0x400, $0x38;
	[tilespmem:$0x1B800] =	vst v63  }
0x84: {  	_ =	swait.ge [sflag:s20], $0x400  }
0x85: {  	[sflag:s20] =	ssyncset.done $0x0;
	s24 =	rddreg [dreg:$0x11]  }
0x86: {  	s7 =	simm.s32 $0x1B000;
	[sflag:s20] =	ssyncadd.s32 $0xFFFFFC00;
	s4 =	sadd.s32 s3, s24  }
0x87: {  	[hbm4b:s4+s19] =	stream.linear.scatter [tilespmem:s7], [sflag:$0x7], $0x400, $0x38;
	[tilespmem:$0x1B800] =	vst v63  }
0x88: {  	_ =	swait.ge [sflag:s20], $0x400  }
0x89: {  	[sflag:s20] =	ssyncset.done $0x0;
	s28 =	rddreg [dreg:$0x12]  }
0x8a: {  	s29 =	simm.s32 $0x1B400;
	[sflag:s20] =	ssyncadd.s32 $0xFFFFFC00;
	s3 =	sadd.s32 s3, s28  }
0x8b: {  	[hbm4b:s3+s19] =	stream.linear.scatter [tilespmem:s29], [sflag:$0x7], $0x400, $0x38;
	[tilespmem:$0x1B800] =	vst v63  }
0x8c: {  	_ =	swait.ge [sflag:s20], $0x400  }
0x8d: {  	s30 =	rddreg [dreg:$0x15]  }
0x8e: {  	s7 =	sadd.s32 $0x1, s30  }
0x8f: {  	p1 =	sne.s32 s7, $0x20  }
.Ltmp5:
0x90: {  	_ = 	snop;
	(pc) =	sbr.rel @!p1 .LBB2_20-.Ltmp5, $3  }
0x91: {  	_ =	sdelay $0x1  }
0x92: {  	[sflag:s20] =	ssyncset.done $0x0  }
0x93: {  	s9 =	simm.s32 $0x0;
	[sflag:s20] =	ssyncadd.s32 $0xFFFFFC00  }
.LBB2_6:
0x94: {  	s3 =	rddreg [dreg:$0x9]  }
0x95: {  	s29 =	rddreg [dreg:$0xf]  }
0x96: {  	s5 =	rddreg [dreg:$0x5]  }
0x97: {  	s6 =	rddreg [dreg:$0xc]  }
0x98: {  	s4 =	smul.u32 $0x3, s7;
	s30 =	rddreg [dreg:$0xd]  }
0x99: {  	[dreg:$0x15] =	wrdreg s7  }
0x9a: {  	p1 =	seq.s32 s7, $0x1F;
	s15 =	simm.s32 $0x0;
	s3 =	sadd.s32 s3, s4  }
0x9b: {  	[dreg:$0x17] =	wrdreg s4;
	s10 =	sshll.u32 s3, $0x12;
	s3 =	sadd.s32 s4, s29  }
0x9c: {  	s11 =	sadd.s32 $0x40000, s10;
	s3 =	sshll.u32 s3, $0x12;
	s4 =	sadd.s32 $0x80000, s10  }
0x9d: {  	s5 =	sor.u32 s5, s3;
	s9 =	sadd.s32 s6, s3;
	s3 =	sadd.s32 s30, s3  }
0x9e: {  	s5 =	sshrl.u32 s5, $0x3;
	s9 =	sshrl.u32 s9, $0x3;
	s3 =	sshrl.u32 s3, $0x3  }
0x9f: {  	s5 =	sadd.s32 s1, s5;
	s9 =	sadd.s32 s1, s9;
	s12 =	sadd.s32 s1, s3  }
.LBB2_7:
0xa0: {  	s3 =	simm.s32 $0x1  }
0xa1: {  	_ =	swait.ge [sflag:s3], $0x1000  }
0xa2: {  	[sflag:s3] =	ssyncset.done $0x0  }
0xa3: {  	[sflag:s3] =	ssyncadd.s32 $0xFFFFF000  }
0xa4: {  	s16 =	sshll.u32 s15, $0x4;
	_ =	swait.ge [sflag:s25], $0x1000  }
0xa5: {  	s13 =	sor.u32 $0x8, s16;
	[sflag:s25] =	ssyncset.done $0x0;
	s19 =	rddreg [dreg:$0x6]  }
0xa6: {  	s3 =	sor.u32 s19, s13;
	[sflag:s25] =	ssyncadd.s32 $0xFFFFF000  }
0xa7: {  	s6 =	simm.s32 $0x9000;
	s3 =	sshll.u32 s3, $0x9;
	_ =	swait.ge [sflag:s26], $0x1000  }
0xa8: {  	s24 =	simm.s32 $0xB000;
	s17 =	sor.u32 s10, s3;
	[sflag:s26] =	ssyncset.done $0x0  }
0xa9: {  	s20 =	sor.u32 s11, s3;
	s3 =	sor.u32 s4, s3;
	s17 =	sshrl.u32 s17, $0x3  }
0xaa: {  	[sflag:s26] =	ssyncadd.s32 $0xFFFFF000;
	s18 =	sadd.s32 s1, s17;
	s17 =	simm.s32 $0x0  }
0xab: {  	[tilespmem:s6], [sflag:$0x2] =	stream.linear.gather [hbm4b:s18+s17], $0x1000, $0x38;
	[tilespmem:$0x1B800] =	vst v63  }
0xac: {  	s28 =	simm.s32 $0xD000;
	s3 =	sshrl.u32 s3, $0x3;
	s18 =	sshrl.u32 s20, $0x3  }
0xad: {  	s29 =	sand.u32 $0xC00, s17;
	s20 =	sand.u32 $0x380, s17;
	s18 =	sadd.s32 s1, s18  }
0xae: {  	[tilespmem:s24], [sflag:$0x4] =	stream.linear.gather [hbm4b:s18+s17], $0x1000, $0x38;
	[tilespmem:$0x1B800] =	vst v63  }
0xaf: {  	s3 =	sadd.s32 s1, s3;
	s7 =	sand.u32 $0x40, s17;
	s8 =	sor.u32 s20, s29  }
0xb0: {  	[tilespmem:s28], [sflag:$0x6] =	stream.linear.gather [hbm4b:s3+s17], $0x1000, $0x38;
	[tilespmem:$0x1B800] =	vst v63  }
0xb1: {  	s30 =	sshll.u32 s15, $0xD;
	s28 =	sor.u32 s7, s8  }
0xb2: {  	s18 =	sand.u32 $0x3FFFE000, s30;
	v5 =	vld [tilespmem:s28+$0xC000]  }
0xb3: {  	s14 =	sor.u32 $0x10, s7;
	s3 =	sadd.s32 s29, s18;
	v6 =	vld [tilespmem:s28+$0x8000]  }
0xb4: {  	s30 =	sor.u32 s14, s8;
	s3 =	sadd.s32 s20, s3;
	v7 =	vld [tilespmem:s28+$0xA000]  }
0xb5: {  	v16 =	vld [tilespmem:s30+$0xA000];
	s20 =	sadd.s32 s7, s3  }
0xb6: {  	v8 =	vld [tilespmem:s20+$0x0]  }
0xb7: {  	s29 =	sor.u32 $0x30, s7;
	v17 =	vld [tilespmem:s30+$0x8000]  }
0xb8: {  	s6 =	sor.u32 s29, s8;
	v63 =	vld [tilespmem:s30+$0xC000]  }
0xb9: {  	v4 =	vld [tilespmem:s6+$0x8000]  }
0xba: {  	v3 =	vld [tilespmem:s6+$0xA000]  }
0xbb: {  	v1 =	vld [tilespmem:s6+$0xC000];
	s19 =	sadd.s32 s14, s3  }
0xbc: {  	s24 =	sadd.s32 s29, s3;
	v9 =	vld [tilespmem:s19+$0x0]  }
0xbd: {  	v2 =	vld [tilespmem:s24+$0x0]  }
0xbe: {  	v14 =	vld.idx.msk [tilespmem:v8+s31+$0x0], $0xffff  }
0xbf: {  	s7 =	sor.u32 $0x20, s7;
	v15 =	vld.idx.msk [tilespmem:v8+s0+$0x0], $0xffff  }
0xc0: {  	s3 =	sadd.s32 s7, s3;
	v13 =	vld.idx.msk [tilespmem:v8+s2+$0x0], $0xffff  }
0xc1: {  	s29 =	sor.u32 s7, s8;
	v10 =	vld [tilespmem:s3+$0x0]  }
0xc2: {  	v11 =	vld [tilespmem:s29+$0xA000]  }
0xc3: {  	v12 =	vld [tilespmem:s29+$0x8000];
	v6 =	vmax.f32 v14, v6  }
0xc4: {  	v18 =	vld [tilespmem:s29+$0xC000];
	v7 =	vmax.f32 v15, v7;
	[tilespmem:v8+s31+$0x0] =	vst.idx.msk $0xffff, v6  }
0xc5: {  	v5 =	vmax.f32 v13, v5;
	[tilespmem:v8+s0+$0x0] =	vst.idx.msk $0xffff, v7  }
0xc6: {  	[tilespmem:v8+s2+$0x0] =	vst.idx.msk $0xffff, v5  }
0xc7: {  	v5 =	vld.idx.msk [tilespmem:v9+s31+$0x0], $0xffff  }
0xc8: {  	v6 =	vld.idx.msk [tilespmem:v9+s0+$0x0], $0xffff  }
0xc9: {  	v7 =	vld.idx.msk [tilespmem:v9+s2+$0x0], $0xffff;
	_ =	sdelay $0x2  }
0xca: {  	v5 =	vmax.f32 v5, v17  }
0xcb: {  	v6 =	vmax.f32 v6, v16;
	[tilespmem:v9+s31+$0x0] =	vst.idx.msk $0xffff, v5  }
0xcc: {  	v5 =	vmax.f32 v7, v63;
	[tilespmem:v9+s0+$0x0] =	vst.idx.msk $0xffff, v6  }
0xcd: {  	[tilespmem:v9+s2+$0x0] =	vst.idx.msk $0xffff, v5  }
0xce: {  	v5 =	vld.idx.msk [tilespmem:v10+s31+$0x0], $0xffff  }
0xcf: {  	v6 =	vld.idx.msk [tilespmem:v10+s0+$0x0], $0xffff  }
0xd0: {  	v7 =	vld.idx.msk [tilespmem:v10+s2+$0x0], $0xffff;
	_ =	sdelay $0x2  }
0xd1: {  	v5 =	vmax.f32 v5, v12  }
0xd2: {  	v6 =	vmax.f32 v6, v11;
	[tilespmem:v10+s31+$0x0] =	vst.idx.msk $0xffff, v5  }
0xd3: {  	v5 =	vmax.f32 v7, v18;
	[tilespmem:v10+s0+$0x0] =	vst.idx.msk $0xffff, v6  }
0xd4: {  	[tilespmem:v10+s2+$0x0] =	vst.idx.msk $0xffff, v5  }
0xd5: {  	v7 =	vld.idx.msk [tilespmem:v2+s31+$0x0], $0xffff  }
0xd6: {  	v6 =	vld.idx.msk [tilespmem:v2+s0+$0x0], $0xffff  }
0xd7: {  	s20 =	simm.s32 $0x0;
	s3 =	simm.s32 $0x10;
	v5 =	vld.idx.msk [tilespmem:v2+s2+$0x0], $0xffff  }
.LBB2_8:
0xd8: {  	_ = 	snop  }
0xd9: {  	p2 =	sne.s32 s3, $0x3F0;
	s17 =	sadd.s32 $0x40, s17;
	s20 =	sadd.s32 $0x200, s20  }
0xda: {  	s8 =	smov.u32 s3;
	s3 =	sadd.s32 $0x10, s3;
	s7 =	sand.u32 $0xC00, s20;
	v4 =	vmax.f32 v7, v4  }
0xdb: {  	s8 =	sand.u32 $0x380, s8;
	s28 =	sadd.s32 s7, s18;
	v3 =	vmax.f32 v6, v3;
	[tilespmem:v2+s31+$0x0] =	vst.idx.msk $0xffff, v4  }
0xdc: {  	s29 =	sand.u32 $0x40, s17;
	s7 =	sor.u32 s8, s7;
	s28 =	sadd.s32 s8, s28;
	v1 =	vmax.f32 v5, v1;
	[tilespmem:v2+s0+$0x0] =	vst.idx.msk $0xffff, v3  }
0xdd: {  	s30 =	sor.u32 $0x10, s29;
	s19 =	sor.u32 s29, s7;
	s8 =	sadd.s32 s29, s28;
	[tilespmem:v2+s2+$0x0] =	vst.idx.msk $0xffff, v1  }
0xde: {  	s14 =	sor.u32 $0x20, s29;
	s6 =	sadd.s32 s30, s28;
	s29 =	sor.u32 $0x30, s29;
	v5 =	vld [tilespmem:s19+$0xC000]  }
0xdf: {  	s24 =	sadd.s32 s14, s28;
	s14 =	sor.u32 s14, s7;
	s28 =	sadd.s32 s29, s28;
	v6 =	vld [tilespmem:s19+$0x8000]  }
0xe0: {  	v7 =	vld [tilespmem:s19+$0xA000];
	s19 =	sor.u32 s30, s7;
	s7 =	sor.u32 s29, s7  }
0xe1: {  	v8 =	vld [tilespmem:s8+$0x0]  }
0xe2: {  	v9 =	vld [tilespmem:s14+$0xA000]  }
0xe3: {  	v10 =	vld [tilespmem:s14+$0x8000]  }
0xe4: {  	v4 =	vld [tilespmem:s7+$0x8000]  }
0xe5: {  	v3 =	vld [tilespmem:s7+$0xA000]  }
0xe6: {  	v1 =	vld [tilespmem:s7+$0xC000]  }
0xe7: {  	v11 =	vld [tilespmem:s6+$0x0]  }
0xe8: {  	v2 =	vld [tilespmem:s28+$0x0]  }
0xe9: {  	v12 =	vld.idx.msk [tilespmem:v8+s2+$0x0], $0xffff  }
0xea: {  	v13 =	vld.idx.msk [tilespmem:v8+s31+$0x0], $0xffff  }
0xeb: {  	v14 =	vld.idx.msk [tilespmem:v8+s0+$0x0], $0xffff  }
0xec: {  	v15 =	vld [tilespmem:s24+$0x0]  }
0xed: {  	v16 =	vld [tilespmem:s19+$0xA000]  }
0xee: {  	v17 =	vld [tilespmem:s19+$0x8000]  }
0xef: {  	v5 =	vmax.f32 v12, v5;
	v18 =	vld [tilespmem:s14+$0xC000]  }
0xf0: {  	v6 =	vmax.f32 v13, v6;
	v12 =	vld [tilespmem:s19+$0xC000]  }
0xf1: {  	v7 =	vmax.f32 v14, v7;
	[tilespmem:v8+s31+$0x0] =	vst.idx.msk $0xffff, v6  }
0xf2: {  	[tilespmem:v8+s0+$0x0] =	vst.idx.msk $0xffff, v7  }
0xf3: {  	[tilespmem:v8+s2+$0x0] =	vst.idx.msk $0xffff, v5  }
0xf4: {  	v5 =	vld.idx.msk [tilespmem:v11+s31+$0x0], $0xffff  }
0xf5: {  	v6 =	vld.idx.msk [tilespmem:v11+s0+$0x0], $0xffff  }
0xf6: {  	v7 =	vld.idx.msk [tilespmem:v11+s2+$0x0], $0xffff;
	_ =	sdelay $0x3  }
0xf7: {  	v5 =	vmax.f32 v5, v17  }
0xf8: {  	v6 =	vmax.f32 v6, v16;
	[tilespmem:v11+s31+$0x0] =	vst.idx.msk $0xffff, v5  }
0xf9: {  	v5 =	vmax.f32 v7, v12;
	[tilespmem:v11+s0+$0x0] =	vst.idx.msk $0xffff, v6  }
0xfa: {  	[tilespmem:v11+s2+$0x0] =	vst.idx.msk $0xffff, v5  }
0xfb: {  	v5 =	vld.idx.msk [tilespmem:v15+s31+$0x0], $0xffff  }
0xfc: {  	v6 =	vld.idx.msk [tilespmem:v15+s0+$0x0], $0xffff  }
0xfd: {  	v7 =	vld.idx.msk [tilespmem:v15+s2+$0x0], $0xffff;
	_ =	sdelay $0x3  }
0xfe: {  	v5 =	vmax.f32 v5, v10  }
0xff: {  	v6 =	vmax.f32 v6, v9;
	[tilespmem:v15+s31+$0x0] =	vst.idx.msk $0xffff, v5  }
.Ltmp6:
0x100: {  	v5 =	vmax.f32 v7, v18;
	[tilespmem:v15+s0+$0x0] =	vst.idx.msk $0xffff, v6;
	(pc) =	sbr.rel @p2 .LBB2_8-.Ltmp6, $4  }
0x101: {  	[tilespmem:v15+s2+$0x0] =	vst.idx.msk $0xffff, v5  }
0x102: {  	v7 =	vld.idx.msk [tilespmem:v2+s31+$0x0], $0xffff  }
0x103: {  	v6 =	vld.idx.msk [tilespmem:v2+s0+$0x0], $0xffff  }
0x104: {  	v5 =	vld.idx.msk [tilespmem:v2+s2+$0x0], $0xffff  }
0x105: {  	_ =	sdelay $0x2  }
0x106: {  	v4 =	vmax.f32 v7, v4  }
0x107: {  	v3 =	vmax.f32 v6, v3;
	[tilespmem:v2+s31+$0x0] =	vst.idx.msk $0xffff, v4  }
0x108: {  	v1 =	vmax.f32 v5, v1;
	[tilespmem:v2+s0+$0x0] =	vst.idx.msk $0xffff, v3  }
0x109: {  	[tilespmem:v2+s2+$0x0] =	vst.idx.msk $0xffff, v1  }
0x10a: {  	_ =	swait.ge [sflag:s21], $0x1000  }
0x10b: {  	[sflag:s21] =	ssyncset.done $0x0  }
0x10c: {  	[sflag:s21] =	ssyncadd.s32 $0xFFFFF000  }
0x10d: {  	_ =	swait.ge [sflag:s22], $0x1000  }
0x10e: {  	p2 =	seq.s32 s15, $0x3;
	s3 =	rddreg [dreg:$0xe]  }
0x10f: {  	[sflag:s22] =	ssyncset.done $0x0;
	s3 =	sadd.s32 @!p2 s16, s3  }
0x110: {  	[sflag:s22] =	ssyncadd.s32 $0xFFFFF000;
	s3 =	sshll.u32 @!p2 s3, $0x9  }
0x111: {  	_ =	swait.ge [sflag:s23], $0x1000;
	s6 =	sadd.s32 @!p2 s10, s3  }
0x112: {  	s7 =	simm.s32 @!p2 $0x0;
	[sflag:s23] =	ssyncset.done $0x0;
	s6 =	sshrl.u32 @!p2 s6, $0x3  }
0x113: {  	s8 =	simm.s32 @!p2 $0x8000;
	[sflag:s23] =	ssyncadd.s32 $0xFFFFF000;
	s6 =	sadd.s32 @!p2 s1, s6  }
0x114: {  	[tilespmem:s8], [sflag:$0x1] =	stream.linear.gather @!p2 [hbm4b:s6+s7], $0x1000, $0x38;
	[tilespmem:$0x1B800] =	vst v63  }
0x115: {  	s6 =	sadd.s32 @!p2 s11, s3  }
0x116: {  	s3 =	sadd.s32 @!p2 s4, s3;
	s6 =	sshrl.u32 @!p2 s6, $0x3  }
0x117: {  	s8 =	simm.s32 @!p2 $0xA000;
	s3 =	sshrl.u32 @!p2 s3, $0x3;
	s6 =	sadd.s32 @!p2 s1, s6  }
0x118: {  	[tilespmem:s8], [sflag:$0x3] =	stream.linear.gather @!p2 [hbm4b:s6+s7], $0x1000, $0x38;
	[tilespmem:$0x1B800] =	vst v63  }
0x119: {  	s15 =	sadd.s32 $0x1, s15;
	s3 =	sadd.s32 @!p2 s1, s3;
	s6 =	simm.s32 @!p2 $0xC000  }
0x11a: {  	[tilespmem:s6], [sflag:$0x5] =	stream.linear.gather @!p2 [hbm4b:s3+s7], $0x1000, $0x38;
	[tilespmem:$0x1B800] =	vst v63  }
0x11b: {  	s16 =	simm.s32 $0x0;
	p2 =	sne.s32 @!p1 s15, $0x4  }
0x11c: {  	s24 =	sand.u32 $0xC00, s16;
	p2 =	por p2, p1  }
0x11d: {  	s28 =	sand.u32 $0x380, s16;
	s3 =	simm.s32 @!p2 $0x0;
	s6 =	simm.s32 @!p2 $0x8000  }
0x11e: {  	[tilespmem:s6], [sflag:$0x1] =	stream.linear.gather @!p2 [hbm4b:s5+s3], $0x1000, $0x38;
	[tilespmem:$0x1B800] =	vst v63  }
0x11f: {  	s30 =	sand.u32 $0x40, s16;
	s14 =	sor.u32 s28, s24;
	s6 =	simm.s32 @!p2 $0xA000  }
0x120: {  	[tilespmem:s6], [sflag:$0x3] =	stream.linear.gather @!p2 [hbm4b:s9+s3], $0x1000, $0x38;
	[tilespmem:$0x1B800] =	vst v63  }
0x121: {  	s29 =	sshll.u32 s13, $0x9;
	s18 =	sor.u32 s30, s14;
	s6 =	simm.s32 @!p2 $0xC000  }
0x122: {  	[tilespmem:s6], [sflag:$0x5] =	stream.linear.gather @!p2 [hbm4b:s12+s3], $0x1000, $0x38;
	[tilespmem:$0x1B800] =	vst v63  }
0x123: {  	s13 =	sand.u32 $0x3FFFFE00, s29;
	v5 =	vld [tilespmem:s18+$0xD000]  }
0x124: {  	s17 =	sor.u32 $0x30, s30;
	s3 =	sadd.s32 s24, s13;
	v6 =	vld [tilespmem:s18+$0x9000]  }
0x125: {  	s19 =	sor.u32 s17, s14;
	s3 =	sadd.s32 s28, s3;
	v7 =	vld [tilespmem:s18+$0xB000]  }
0x126: {  	v4 =	vld [tilespmem:s19+$0x9000];
	s6 =	sadd.s32 s30, s3  }
0x127: {  	v8 =	vld [tilespmem:s6+$0x0]  }
0x128: {  	s20 =	sor.u32 $0x10, s30;
	v3 =	vld [tilespmem:s19+$0xB000]  }
0x129: {  	v1 =	vld [tilespmem:s19+$0xD000];
	s24 =	sadd.s32 s20, s3  }
0x12a: {  	s28 =	sor.u32 $0x20, s30;
	s29 =	sadd.s32 s17, s3;
	v9 =	vld [tilespmem:s24+$0x0]  }
0x12b: {  	s3 =	sadd.s32 s28, s3;
	v2 =	vld [tilespmem:s29+$0x0]  }
0x12c: {  	s30 =	sor.u32 s28, s14;
	v10 =	vld [tilespmem:s3+$0x0]  }
0x12d: {  	v11 =	vld [tilespmem:s30+$0xB000]  }
0x12e: {  	v12 =	vld [tilespmem:s30+$0x9000]  }
0x12f: {  	v14 =	vld.idx.msk [tilespmem:v8+s31+$0x0], $0xffff  }
0x130: {  	v15 =	vld.idx.msk [tilespmem:v8+s0+$0x0], $0xffff  }
0x131: {  	v13 =	vld.idx.msk [tilespmem:v8+s2+$0x0], $0xffff  }
0x132: {  	s6 =	sor.u32 s20, s14;
	v18 =	vld [tilespmem:s30+$0xD000]  }
0x133: {  	v16 =	vld [tilespmem:s6+$0xB000]  }
0x134: {  	v17 =	vld [tilespmem:s6+$0x9000];
	v6 =	vmax.f32 v14, v6  }
0x135: {  	v63 =	vld [tilespmem:s6+$0xD000];
	v7 =	vmax.f32 v15, v7;
	[tilespmem:v8+s31+$0x0] =	vst.idx.msk $0xffff, v6  }
0x136: {  	v5 =	vmax.f32 v13, v5;
	[tilespmem:v8+s0+$0x0] =	vst.idx.msk $0xffff, v7  }
0x137: {  	[tilespmem:v8+s2+$0x0] =	vst.idx.msk $0xffff, v5  }
0x138: {  	v5 =	vld.idx.msk [tilespmem:v9+s31+$0x0], $0xffff  }
0x139: {  	v6 =	vld.idx.msk [tilespmem:v9+s0+$0x0], $0xffff  }
0x13a: {  	v7 =	vld.idx.msk [tilespmem:v9+s2+$0x0], $0xffff;
	_ =	sdelay $0x2  }
0x13b: {  	v5 =	vmax.f32 v5, v17  }
0x13c: {  	v6 =	vmax.f32 v6, v16;
	[tilespmem:v9+s31+$0x0] =	vst.idx.msk $0xffff, v5  }
0x13d: {  	v5 =	vmax.f32 v7, v63;
	[tilespmem:v9+s0+$0x0] =	vst.idx.msk $0xffff, v6  }
0x13e: {  	[tilespmem:v9+s2+$0x0] =	vst.idx.msk $0xffff, v5  }
0x13f: {  	v5 =	vld.idx.msk [tilespmem:v10+s31+$0x0], $0xffff  }
0x140: {  	v6 =	vld.idx.msk [tilespmem:v10+s0+$0x0], $0xffff  }
0x141: {  	v7 =	vld.idx.msk [tilespmem:v10+s2+$0x0], $0xffff;
	_ =	sdelay $0x2  }
0x142: {  	v5 =	vmax.f32 v5, v12  }
0x143: {  	v6 =	vmax.f32 v6, v11;
	[tilespmem:v10+s31+$0x0] =	vst.idx.msk $0xffff, v5  }
0x144: {  	v5 =	vmax.f32 v7, v18;
	[tilespmem:v10+s0+$0x0] =	vst.idx.msk $0xffff, v6  }
0x145: {  	[tilespmem:v10+s2+$0x0] =	vst.idx.msk $0xffff, v5  }
0x146: {  	v7 =	vld.idx.msk [tilespmem:v2+s31+$0x0], $0xffff  }
0x147: {  	v6 =	vld.idx.msk [tilespmem:v2+s0+$0x0], $0xffff  }
0x148: {  	s17 =	simm.s32 $0x0;
	s3 =	simm.s32 $0x10;
	v5 =	vld.idx.msk [tilespmem:v2+s2+$0x0], $0xffff  }
.LBB2_10:
0x149: {  	_ = 	snop  }
0x14a: {  	p2 =	seq.s32 s3, $0x3F0;
	s16 =	sadd.s32 $0x40, s16;
	s17 =	sadd.s32 $0x200, s17  }
0x14b: {  	s7 =	smov.u32 s3;
	s3 =	sadd.s32 $0x10, s3;
	s6 =	sand.u32 $0xC00, s17;
	v4 =	vmax.f32 v7, v4  }
0x14c: {  	s7 =	sand.u32 $0x380, s7;
	s8 =	sadd.s32 s6, s13;
	v3 =	vmax.f32 v6, v3;
	[tilespmem:v2+s31+$0x0] =	vst.idx.msk $0xffff, v4  }
0x14d: {  	s14 =	sand.u32 $0x40, s16;
	s6 =	sor.u32 s7, s6;
	s8 =	sadd.s32 s7, s8;
	v1 =	vmax.f32 v5, v1;
	[tilespmem:v2+s0+$0x0] =	vst.idx.msk $0xffff, v3  }
0x14e: {  	s18 =	sor.u32 $0x10, s14;
	s19 =	sor.u32 s14, s6;
	s7 =	sadd.s32 s14, s8;
	[tilespmem:v2+s2+$0x0] =	vst.idx.msk $0xffff, v1  }
0x14f: {  	s24 =	sor.u32 $0x20, s14;
	s20 =	sadd.s32 s18, s8;
	s14 =	sor.u32 $0x30, s14;
	v5 =	vld [tilespmem:s19+$0xD000]  }
0x150: {  	s28 =	sadd.s32 s24, s8;
	s24 =	sor.u32 s24, s6;
	s8 =	sadd.s32 s14, s8;
	v6 =	vld [tilespmem:s19+$0x9000]  }
0x151: {  	s18 =	sor.u32 s18, s6;
	s6 =	sor.u32 s14, s6;
	v7 =	vld [tilespmem:s19+$0xB000]  }
0x152: {  	v8 =	vld [tilespmem:s7+$0x0]  }
0x153: {  	v9 =	vld [tilespmem:s24+$0xB000]  }
0x154: {  	v10 =	vld [tilespmem:s24+$0x9000]  }
0x155: {  	v4 =	vld [tilespmem:s6+$0x9000]  }
0x156: {  	v3 =	vld [tilespmem:s6+$0xB000]  }
0x157: {  	v1 =	vld [tilespmem:s6+$0xD000]  }
0x158: {  	v11 =	vld [tilespmem:s20+$0x0]  }
0x159: {  	v2 =	vld [tilespmem:s8+$0x0]  }
0x15a: {  	v12 =	vld.idx.msk [tilespmem:v8+s2+$0x0], $0xffff  }
0x15b: {  	v13 =	vld.idx.msk [tilespmem:v8+s31+$0x0], $0xffff  }
0x15c: {  	v14 =	vld.idx.msk [tilespmem:v8+s0+$0x0], $0xffff  }
0x15d: {  	v15 =	vld [tilespmem:s28+$0x0]  }
0x15e: {  	v16 =	vld [tilespmem:s18+$0xB000]  }
0x15f: {  	v17 =	vld [tilespmem:s18+$0x9000]  }
0x160: {  	v5 =	vmax.f32 v12, v5;
	v18 =	vld [tilespmem:s24+$0xD000]  }
0x161: {  	v6 =	vmax.f32 v13, v6;
	v12 =	vld [tilespmem:s18+$0xD000]  }
0x162: {  	v7 =	vmax.f32 v14, v7;
	[tilespmem:v8+s31+$0x0] =	vst.idx.msk $0xffff, v6  }
0x163: {  	[tilespmem:v8+s0+$0x0] =	vst.idx.msk $0xffff, v7  }
0x164: {  	[tilespmem:v8+s2+$0x0] =	vst.idx.msk $0xffff, v5  }
0x165: {  	v5 =	vld.idx.msk [tilespmem:v11+s31+$0x0], $0xffff  }
0x166: {  	v6 =	vld.idx.msk [tilespmem:v11+s0+$0x0], $0xffff  }
0x167: {  	v7 =	vld.idx.msk [tilespmem:v11+s2+$0x0], $0xffff;
	_ =	sdelay $0x3  }
0x168: {  	v5 =	vmax.f32 v5, v17  }
0x169: {  	v6 =	vmax.f32 v6, v16;
	[tilespmem:v11+s31+$0x0] =	vst.idx.msk $0xffff, v5  }
0x16a: {  	v5 =	vmax.f32 v7, v12;
	[tilespmem:v11+s0+$0x0] =	vst.idx.msk $0xffff, v6  }
0x16b: {  	[tilespmem:v11+s2+$0x0] =	vst.idx.msk $0xffff, v5  }
0x16c: {  	v5 =	vld.idx.msk [tilespmem:v15+s31+$0x0], $0xffff  }
0x16d: {  	v6 =	vld.idx.msk [tilespmem:v15+s0+$0x0], $0xffff  }
0x16e: {  	v7 =	vld.idx.msk [tilespmem:v15+s2+$0x0], $0xffff;
	_ =	sdelay $0x3  }
0x16f: {  	v5 =	vmax.f32 v5, v10  }
0x170: {  	v6 =	vmax.f32 v6, v9;
	[tilespmem:v15+s31+$0x0] =	vst.idx.msk $0xffff, v5  }
.Ltmp7:
0x171: {  	v5 =	vmax.f32 v7, v18;
	[tilespmem:v15+s0+$0x0] =	vst.idx.msk $0xffff, v6;
	(pc) =	sbr.rel @!p2 .LBB2_10-.Ltmp7, $4  }
0x172: {  	[tilespmem:v15+s2+$0x0] =	vst.idx.msk $0xffff, v5  }
0x173: {  	v7 =	vld.idx.msk [tilespmem:v2+s31+$0x0], $0xffff  }
0x174: {  	v6 =	vld.idx.msk [tilespmem:v2+s0+$0x0], $0xffff  }
0x175: {  	v5 =	vld.idx.msk [tilespmem:v2+s2+$0x0], $0xffff  }
0x176: {  	_ = 	snop  }
0x177: {  	p2 =	seq.s32 s15, $0x4  }
.Ltmp8:
0x178: {  	_ = 	snop;
	(pc) =	sbr.rel @!p2 .LBB2_7-.Ltmp8, $4  }
0x179: {  	v4 =	vmax.f32 v7, v4  }
0x17a: {  	v3 =	vmax.f32 v6, v3;
	[tilespmem:v2+s31+$0x0] =	vst.idx.msk $0xffff, v4  }
0x17b: {  	v1 =	vmax.f32 v5, v1;
	[tilespmem:v2+s0+$0x0] =	vst.idx.msk $0xffff, v3  }
0x17c: {  	[tilespmem:v2+s2+$0x0] =	vst.idx.msk $0xffff, v1  }
0x17d: {  	s10 =	simm.s32 $0xE020  }
0x17e: {  	v1 =	vld [tilespmem:s10+$0x10]  }
0x17f: {  	v2 =	vld [tilespmem:s10+$0xFFFFFFF0]  }
0x180: {  	v3 =	vld [tilespmem:s10+$0xFFFFFFE0];
	_ =	sdelay $0x1  }
0x181: {  	s11 =	simm.s32 $0x1AC20  }
0x182: {  	[tilespmem:s11+$0x10] =	vst v1  }
0x183: {  	[tilespmem:s11+$0xFFFFFFF0] =	vst v2  }
0x184: {  	v1 =	vld [tilespmem:s10+$0x0];
	[tilespmem:s11+$0xFFFFFFE0] =	vst v3  }
0x185: {  	s5 =	simm.s32 $0x12420;
	[tilespmem:s10+$0x10] =	vst v0  }
0x186: {  	[tilespmem:s10+$0xFFFFFFE0] =	vst v0;
	v2 =	vld [tilespmem:s5+$0x10]  }
0x187: {  	v3 =	vld [tilespmem:s5+$0xFFFFFFE0]  }
0x188: {  	[tilespmem:s10+$0xFFFFFFF0] =	vst v0  }
0x189: {  	[tilespmem:s11+$0x0] =	vst v1  }
0x18a: {  	s9 =	simm.s32 $0x1B020;
	v1 =	vld [tilespmem:s5+$0xFFFFFFF0];
	[tilespmem:s10+$0x0] =	vst v0  }
0x18b: {  	[tilespmem:s9+$0x10] =	vst v2  }
0x18c: {  	[tilespmem:s9+$0xFFFFFFE0] =	vst v3;
	v3 =	vld [tilespmem:s5+$0x0]  }
0x18d: {  	s4 =	simm.s32 $0x16820;
	[tilespmem:s5+$0x10] =	vst v0  }
0x18e: {  	[tilespmem:s5+$0xFFFFFFE0] =	vst v0;
	v2 =	vld [tilespmem:s4+$0x10]  }
0x18f: {  	[tilespmem:s9+$0xFFFFFFF0] =	vst v1  }
0x190: {  	v1 =	vld [tilespmem:s4+$0xFFFFFFE0];
	[tilespmem:s5+$0xFFFFFFF0] =	vst v0  }
0x191: {  	[tilespmem:s9+$0x0] =	vst v3  }
0x192: {  	s3 =	simm.s32 $0x1B420;
	[tilespmem:s5+$0x0] =	vst v0  }
0x193: {  	[tilespmem:s3+$0x10] =	vst v2;
	v2 =	vld [tilespmem:s4+$0xFFFFFFF0]  }
0x194: {  	s6 =	simm.s32 $0xE060;
	v3 =	vld [tilespmem:s4+$0x0]  }
0x195: {  	[tilespmem:s3+$0xFFFFFFE0] =	vst v1;
	v1 =	vld [tilespmem:s6+$0x10]  }
0x196: {  	v4 =	vld [tilespmem:s6+$0xFFFFFFF0];
	[tilespmem:s4+$0x10] =	vst v0  }
0x197: {  	[tilespmem:s4+$0xFFFFFFE0] =	vst v0  }
0x198: {  	[tilespmem:s3+$0xFFFFFFF0] =	vst v2  }
0x199: {  	v2 =	vld [tilespmem:s6+$0xFFFFFFE0];
	[tilespmem:s3+$0x0] =	vst v3;
	s3 =	simm.s32 $0x1AC60  }
0x19a: {  	[tilespmem:s3+$0x10] =	vst v1  }
0x19b: {  	v1 =	vld [tilespmem:s6+$0x0];
	[tilespmem:s3+$0xFFFFFFF0] =	vst v4  }
0x19c: {  	s5 =	simm.s32 $0x12460;
	[tilespmem:s6+$0x10] =	vst v0  }
0x19d: {  	[tilespmem:s6+$0xFFFFFFF0] =	vst v0;
	v3 =	vld [tilespmem:s5+$0x10]  }
0x19e: {  	[tilespmem:s3+$0xFFFFFFE0] =	vst v2  }
0x19f: {  	[tilespmem:s6+$0xFFFFFFE0] =	vst v0  }
0x1a0: {  	[tilespmem:s3+$0x0] =	vst v1;
	v1 =	vld [tilespmem:s5+$0xFFFFFFF0]  }
0x1a1: {  	s10 =	simm.s32 $0x1B060;
	[tilespmem:s4+$0xFFFFFFF0] =	vst v0;
	v2 =	vld [tilespmem:s5+$0xFFFFFFE0]  }
0x1a2: {  	[tilespmem:s10+$0x10] =	vst v3  }
0x1a3: {  	s9 =	simm.s32 $0x16860;
	[tilespmem:s5+$0x10] =	vst v0  }
0x1a4: {  	[tilespmem:s6+$0x0] =	vst v0;
	v3 =	vld [tilespmem:s9+$0x10]  }
0x1a5: {  	[tilespmem:s10+$0xFFFFFFF0] =	vst v1  }
0x1a6: {  	[tilespmem:s10+$0xFFFFFFE0] =	vst v2;
	v2 =	vld [tilespmem:s5+$0x0]  }
0x1a7: {  	[tilespmem:s5+$0xFFFFFFE0] =	vst v0  }
0x1a8: {  	s11 =	simm.s32 $0x1B460;
	[tilespmem:s5+$0xFFFFFFF0] =	vst v0;
	v63 =	vld [tilespmem:s9+$0xFFFFFFE0]  }
0x1a9: {  	[tilespmem:s11+$0x10] =	vst v3  }
0x1aa: {  	[tilespmem:s9+$0x10] =	vst v0  }
0x1ab: {  	v1 =	vld [tilespmem:s9+$0xFFFFFFF0];
	[tilespmem:s10+$0x0] =	vst v2  }
0x1ac: {  	[tilespmem:s5+$0x0] =	vst v0  }
0x1ad: {  	[tilespmem:s11+$0xFFFFFFE0] =	vst v63  }
0x1ae: {  	s12 =	simm.s32 $0x4;
	s13 =	simm.s32 $0xE0A0;
	v2 =	vld [tilespmem:s9+$0x0];
	s8 =	rddreg [dreg:$0x16]  }
.LBB2_13:
0x1af: {  	v3 =	vld [tilespmem:s13+$0x10];
	[tilespmem:s9+$0xFFFFFFE0] =	vst v0  }
0x1b0: {  	v4 =	vld [tilespmem:s13+$0xFFFFFFF0];
	[tilespmem:s11+$0xFFFFFFF0] =	vst v1  }
0x1b1: {  	v1 =	vld [tilespmem:s13+$0x0];
	[tilespmem:s9+$0xFFFFFFF0] =	vst v0  }
0x1b2: {  	s12 =	sadd.s32 $0x4, s12;
	v5 =	vld [tilespmem:s13+$0xFFFFFFE0];
	[tilespmem:s4+$0x0] =	vst v0;
	s4 =	smov.u32 s9  }
0x1b3: {  	s3 =	sadd.s32 $0x40, s3;
	p1 =	slt.u32 s12, $0x3C;
	[tilespmem:s11+$0x0] =	vst v2  }
0x1b4: {  	[tilespmem:s3+$0x10] =	vst v3  }
0x1b5: {  	s5 =	sadd.s32 $0x40, s5;
	[tilespmem:s13+$0x10] =	vst v0  }
0x1b6: {  	[tilespmem:s3+$0xFFFFFFF0] =	vst v4;
	v2 =	vld [tilespmem:s5+$0x10]  }
0x1b7: {  	[tilespmem:s3+$0xFFFFFFE0] =	vst v5  }
0x1b8: {  	[tilespmem:s13+$0xFFFFFFE0] =	vst v0  }
0x1b9: {  	v3 =	vld [tilespmem:s5+$0xFFFFFFE0];
	[tilespmem:s13+$0xFFFFFFF0] =	vst v0  }
0x1ba: {  	s10 =	sadd.s32 $0x40, s10;
	v4 =	vld [tilespmem:s5+$0xFFFFFFF0];
	[tilespmem:s3+$0x0] =	vst v1  }
0x1bb: {  	[tilespmem:s10+$0x10] =	vst v2  }
0x1bc: {  	s9 =	sadd.s32 $0x40, s9;
	[tilespmem:s5+$0x10] =	vst v0  }
0x1bd: {  	[tilespmem:s13+$0x0] =	vst v0;
	v2 =	vld [tilespmem:s9+$0x10]  }
0x1be: {  	[tilespmem:s10+$0xFFFFFFE0] =	vst v3;
	v3 =	vld [tilespmem:s5+$0x0]  }
0x1bf: {  	[tilespmem:s5+$0xFFFFFFE0] =	vst v0  }
0x1c0: {  	v5 =	vld [tilespmem:s9+$0xFFFFFFE0];
	[tilespmem:s10+$0xFFFFFFF0] =	vst v4  }
0x1c1: {  	s11 =	sadd.s32 $0x40, s11;
	[tilespmem:s5+$0xFFFFFFF0] =	vst v0  }
.Ltmp9:
0x1c2: {  	v1 =	vld [tilespmem:s9+$0xFFFFFFF0];
	[tilespmem:s11+$0x10] =	vst v2;
	(pc) =	sbr.rel @p1 .LBB2_13-.Ltmp9, $4  }
0x1c3: {  	[tilespmem:s9+$0x10] =	vst v0  }
0x1c4: {  	[tilespmem:s10+$0x0] =	vst v3  }
0x1c5: {  	[tilespmem:s5+$0x0] =	vst v0  }
0x1c6: {  	s13 =	sadd.s32 $0x40, s13;
	[tilespmem:s11+$0xFFFFFFE0] =	vst v5;
	v2 =	vld [tilespmem:s9+$0x0]  }
0x1c7: {  	[tilespmem:s9+$0xFFFFFFE0] =	vst v0  }
.Ltmp10:
0x1c8: {  	[tilespmem:s11+$0xFFFFFFF0] =	vst v1;
	(pc) =	sbr.rel @p0 .LBB2_19-.Ltmp10, $4  }
0x1c9: {  	[tilespmem:s4+$0x0] =	vst v0  }
0x1ca: {  	[tilespmem:s9+$0xFFFFFFF0] =	vst v0  }
0x1cb: {  	[tilespmem:s11+$0x0] =	vst v2  }
0x1cc: {  	[tilespmem:s9+$0x0] =	vst v0  }
0x1cd: {  	s4 =	simm.s32 $0x1  }
0x1ce: {  	s5 =	simm.s32 $0x16C30;
	s9 =	simm.s32 $0x12830;
	s10 =	simm.s32 $0xE430  }
.LBB2_16:
0x1cf: {  	v1 =	vld [tilespmem:s10+$0x0];
	s3 =	simm.s32 $0x1AC20;
	[tilespmem:s10+$0x0] =	vst v0  }
0x1d0: {  	v2 =	vld [tilespmem:s3+$0x10]  }
0x1d1: {  	v3 =	vld [tilespmem:s10+$0xFFFFFFD0]  }
0x1d2: {  	v4 =	vld [tilespmem:s10+$0xFFFFFFE0];
	[tilespmem:s10+$0xFFFFFFD0] =	vst v0  }
0x1d3: {  	v5 =	vld [tilespmem:s3+$0xFFFFFFE0]  }
0x1d4: {  	[tilespmem:s10+$0xFFFFFFE0] =	vst v0;
	v7 =	vld [tilespmem:s10+$0xFFFFFFF0]  }
0x1d5: {  	[tilespmem:s10+$0xFFFFFFF0] =	vst v0;
	v6 =	vld [tilespmem:s3+$0xFFFFFFF0];
	v1 =	vmax.f32 v2, v1  }
0x1d6: {  	v2 =	vld [tilespmem:s3+$0x0];
	[tilespmem:s3+$0x10] =	vst v1  }
0x1d7: {  	s6 =	simm.s32 $0x1B020;
	v1 =	vld [tilespmem:s9+$0x0];
	[tilespmem:s9+$0x0] =	vst v0  }
0x1d8: {  	v3 =	vmax.f32 v5, v3;
	v5 =	vld [tilespmem:s6+$0x10]  }
0x1d9: {  	[tilespmem:s3+$0xFFFFFFE0] =	vst v3  }
0x1da: {  	v3 =	vmax.f32 v6, v4;
	v4 =	vld [tilespmem:s9+$0xFFFFFFD0];
	[tilespmem:s9+$0xFFFFFFD0] =	vst v0  }
0x1db: {  	[tilespmem:s3+$0xFFFFFFF0] =	vst v3;
	v6 =	vld [tilespmem:s6+$0xFFFFFFE0]  }
0x1dc: {  	v3 =	vld [tilespmem:s9+$0xFFFFFFE0];
	[tilespmem:s9+$0xFFFFFFE0] =	vst v0  }
0x1dd: {  	s17 =	sadd.s32 $0x40, s10;
	v2 =	vmax.f32 v2, v7;
	v1 =	vmax.f32 v5, v1;
	v5 =	vld [tilespmem:s6+$0xFFFFFFF0]  }
0x1de: {  	v10 =	vld [tilespmem:s17+$0xFFFFFFE0];
	[tilespmem:s3+$0x0] =	vst v2  }
0x1df: {  	v2 =	vld [tilespmem:s9+$0xFFFFFFF0];
	[tilespmem:s9+$0xFFFFFFF0] =	vst v0  }
0x1e0: {  	v4 =	vmax.f32 v6, v4;
	v6 =	vld [tilespmem:s6+$0x0];
	[tilespmem:s6+$0x10] =	vst v1  }
0x1e1: {  	s11 =	simm.s32 $0x1B420;
	v1 =	vld [tilespmem:s5+$0x0];
	[tilespmem:s5+$0x0] =	vst v0  }
0x1e2: {  	[tilespmem:s6+$0xFFFFFFE0] =	vst v4;
	v7 =	vld [tilespmem:s11+$0x10];
	v3 =	vmax.f32 v5, v3  }
0x1e3: {  	v4 =	vld [tilespmem:s5+$0xFFFFFFD0];
	[tilespmem:s6+$0xFFFFFFF0] =	vst v3  }
0x1e4: {  	s12 =	simm.s32 $0x1AC60;
	v3 =	vld [tilespmem:s17+$0x0];
	[tilespmem:s17+$0x0] =	vst v0  }
0x1e5: {  	[tilespmem:s5+$0xFFFFFFD0] =	vst v0;
	v8 =	vld [tilespmem:s12+$0x10]  }
0x1e6: {  	[tilespmem:s17+$0xFFFFFFF0] =	vst v0;
	v9 =	vld [tilespmem:s11+$0xFFFFFFE0]  }
0x1e7: {  	[tilespmem:s17+$0xFFFFFFE0] =	vst v0;
	v2 =	vmax.f32 v6, v2;
	v6 =	vld [tilespmem:s12+$0x0];
	v1 =	vmax.f32 v7, v1  }
0x1e8: {  	v5 =	vld [tilespmem:s5+$0xFFFFFFE0];
	[tilespmem:s11+$0x10] =	vst v1  }
0x1e9: {  	v1 =	vld [tilespmem:s17+$0xFFFFFFD0];
	[tilespmem:s17+$0xFFFFFFD0] =	vst v0  }
0x1ea: {  	[tilespmem:s5+$0xFFFFFFE0] =	vst v0;
	v3 =	vmax.f32 v8, v3;
	v8 =	vld [tilespmem:s12+$0xFFFFFFE0]  }
0x1eb: {  	[tilespmem:s12+$0x10] =	vst v3;
	v3 =	vld [tilespmem:s12+$0xFFFFFFF0]  }
0x1ec: {  	s13 =	sadd.s32 $0x40, s9;
	[tilespmem:s6+$0x0] =	vst v2;
	v7 =	vld [tilespmem:s11+$0xFFFFFFF0]  }
0x1ed: {  	s15 =	simm.s32 $0x1B060;
	v4 =	vmax.f32 v9, v4;
	v2 =	vld [tilespmem:s13+$0x0];
	[tilespmem:s13+$0x0] =	vst v0  }
0x1ee: {  	[tilespmem:s11+$0xFFFFFFE0] =	vst v4;
	v4 =	vld [tilespmem:s15+$0x10]  }
0x1ef: {  	[tilespmem:s5+$0xFFFFFFF0] =	vst v0;
	v1 =	vmax.f32 v8, v1;
	v8 =	vld [tilespmem:s17+$0xFFFFFFF0]  }
0x1f0: {  	[tilespmem:s12+$0xFFFFFFE0] =	vst v1;
	v3 =	vmax.f32 v3, v10;
	v1 =	vld [tilespmem:s5+$0xFFFFFFF0]  }
0x1f1: {  	v61 =	vld [tilespmem:s13+$0xFFFFFFD0];
	[tilespmem:s12+$0xFFFFFFF0] =	vst v3  }
0x1f2: {  	[tilespmem:s13+$0xFFFFFFD0] =	vst v0;
	v3 =	vld [tilespmem:s13+$0xFFFFFFE0]  }
0x1f3: {  	v2 =	vmax.f32 v4, v2;
	v4 =	vld [tilespmem:s15+$0xFFFFFFE0];
	[tilespmem:s13+$0xFFFFFFE0] =	vst v0  }
0x1f4: {  	s16 =	sadd.s32 $0x40, s5;
	[tilespmem:s15+$0x10] =	vst v2;
	v6 =	vmax.f32 v6, v8;
	v8 =	vld [tilespmem:s15+$0xFFFFFFF0]  }
0x1f5: {  	[tilespmem:s12+$0x0] =	vst v6;
	v6 =	vld [tilespmem:s16+$0x0]  }
0x1f6: {  	s3 =	simm.s32 $0x1B460;
	[tilespmem:s16+$0x0] =	vst v0;
	v62 =	vld [tilespmem:s13+$0xFFFFFFF0]  }
0x1f7: {  	v2 =	vmax.f32 v7, v5;
	[tilespmem:s13+$0xFFFFFFF0] =	vst v0;
	v7 =	vld [tilespmem:s3+$0x10]  }
0x1f8: {  	[tilespmem:s11+$0xFFFFFFF0] =	vst v2;
	v2 =	vmax.f32 v4, v61;
	v63 =	vld [tilespmem:s15+$0x0]  }
0x1f9: {  	v4 =	vld [tilespmem:s11+$0x0];
	[tilespmem:s15+$0xFFFFFFE0] =	vst v2  }
0x1fa: {  	v3 =	vmax.f32 v8, v3;
	v2 =	vld [tilespmem:s16+$0xFFFFFFD0];
	[tilespmem:s16+$0xFFFFFFD0] =	vst v0  }
0x1fb: {  	[tilespmem:s15+$0xFFFFFFF0] =	vst v3;
	v5 =	vld [tilespmem:s3+$0xFFFFFFE0]  }
0x1fc: {  	v3 =	vld [tilespmem:s16+$0xFFFFFFE0];
	[tilespmem:s16+$0xFFFFFFE0] =	vst v0;
	v8 =	vmax.f32 v7, v6  }
0x1fd: {  	s18 =	simm.s32 $0x4;
	s20 =	sadd.s32 $0x40, s17;
	s17 =	simm.s32 $0x1B460;
	v6 =	vld [tilespmem:s3+$0xFFFFFFF0];
	v7 =	vmax.f32 v63, v62;
	[tilespmem:s3+$0x10] =	vst v8  }
.LBB2_17:
0x1fe: {  	v8 =	vld [tilespmem:s20+$0x0];
	[tilespmem:s20+$0x0] =	vst v0;
	s18 =	sadd.s32 $0x4, s18;
	s12 =	sadd.s32 $0x40, s12;
	v4 =	vmax.f32 v4, v1  }
0x1ff: {  	[tilespmem:s20+$0xFFFFFFF0] =	vst v0;
	v1 =	vld [tilespmem:s12+$0x10];
	p1 =	slt.u32 s18, $0x3C  }
0x200: {  	v9 =	vld [tilespmem:s20+$0xFFFFFFE0];
	[tilespmem:s20+$0xFFFFFFE0] =	vst v0  }
0x201: {  	v10 =	vld [tilespmem:s20+$0xFFFFFFD0];
	[tilespmem:s20+$0xFFFFFFD0] =	vst v0;
	v2 =	vmax.f32 v5, v2  }
0x202: {  	v5 =	vld [tilespmem:s12+$0xFFFFFFE0];
	v3 =	vmax.f32 v6, v3;
	[tilespmem:s15+$0x0] =	vst v7  }
0x203: {  	v6 =	vld [tilespmem:s12+$0xFFFFFFF0];
	[tilespmem:s16+$0xFFFFFFF0] =	vst v0  }
0x204: {  	v7 =	vld [tilespmem:s12+$0x0];
	v1 =	vmax.f32 v1, v8;
	[tilespmem:s3+$0xFFFFFFE0] =	vst v2  }
0x205: {  	s13 =	sadd.s32 $0x40, s13;
	v2 =	vld [tilespmem:s20+$0xFFFFFFF0];
	[tilespmem:s12+$0x10] =	vst v1  }
0x206: {  	s15 =	sadd.s32 $0x40, s15;
	v8 =	vld [tilespmem:s13+$0x0];
	[tilespmem:s13+$0x0] =	vst v0  }
0x207: {  	v1 =	vmax.f32 v5, v10;
	v5 =	vld [tilespmem:s15+$0x10];
	[tilespmem:s3+$0xFFFFFFF0] =	vst v3  }
0x208: {  	[tilespmem:s12+$0xFFFFFFE0] =	vst v1;
	v3 =	vmax.f32 v6, v9;
	v1 =	vld [tilespmem:s16+$0xFFFFFFF0]  }
0x209: {  	v6 =	vld [tilespmem:s13+$0xFFFFFFD0];
	[tilespmem:s12+$0xFFFFFFF0] =	vst v3  }
0x20a: {  	[tilespmem:s13+$0xFFFFFFD0] =	vst v0;
	v3 =	vld [tilespmem:s13+$0xFFFFFFE0];
	v2 =	vmax.f32 v7, v2  }
0x20b: {  	v7 =	vld [tilespmem:s15+$0xFFFFFFE0];
	[tilespmem:s13+$0xFFFFFFE0] =	vst v0  }
0x20c: {  	v9 =	vld [tilespmem:s15+$0xFFFFFFF0];
	[tilespmem:s12+$0x0] =	vst v2;
	v2 =	vmax.f32 v5, v8  }
0x20d: {  	s16 =	sadd.s32 $0x40, s16;
	v8 =	vld [tilespmem:s13+$0xFFFFFFF0];
	[tilespmem:s15+$0x10] =	vst v2  }
0x20e: {  	s3 =	sadd.s32 $0x40, s3;
	v10 =	vld [tilespmem:s16+$0x0];
	[tilespmem:s16+$0x0] =	vst v0  }
0x20f: {  	[tilespmem:s13+$0xFFFFFFF0] =	vst v0;
	v11 =	vld [tilespmem:s3+$0x10]  }
0x210: {  	v2 =	vmax.f32 v7, v6;
	v7 =	vld [tilespmem:s15+$0x0];
	[tilespmem:s11+$0x0] =	vst v4;
	s11 =	smov.u32 s17;
	s17 =	smov.u32 s3  }
.Ltmp11:
0x211: {  	[tilespmem:s15+$0xFFFFFFE0] =	vst v2;
	v3 =	vmax.f32 v9, v3;
	v4 =	vld [tilespmem:s11+$0x0];
	(pc) =	sbr.rel @p1 .LBB2_17-.Ltmp11, $4  }
0x212: {  	v2 =	vld [tilespmem:s16+$0xFFFFFFD0];
	[tilespmem:s15+$0xFFFFFFF0] =	vst v3  }
0x213: {  	[tilespmem:s16+$0xFFFFFFD0] =	vst v0;
	v3 =	vld [tilespmem:s16+$0xFFFFFFE0]  }
0x214: {  	v5 =	vld [tilespmem:s3+$0xFFFFFFE0];
	[tilespmem:s16+$0xFFFFFFE0] =	vst v0;
	v9 =	vmax.f32 v11, v10  }
0x215: {  	s20 =	sadd.s32 $0x40, s20;
	v6 =	vld [tilespmem:s3+$0xFFFFFFF0];
	v7 =	vmax.f32 v7, v8;
	[tilespmem:s3+$0x10] =	vst v9  }
0x216: {  	[tilespmem:s15+$0x0] =	vst v7  }
0x217: {  	[tilespmem:s16+$0xFFFFFFF0] =	vst v0;
	v7 =	vld [tilespmem:s16+$0xFFFFFFF0]  }
0x218: {  	s4 =	sadd.s32 $0x1, s4;
	v8 =	vld [tilespmem:s17+$0x0]  }
0x219: {  	p1 =	sne.s32 s4, s8  }
.Ltmp12:
0x21a: {  	v1 =	vmax.f32 v4, v1;
	(pc) =	sbr.rel @p1 .LBB2_16-.Ltmp12, $4  }
.Ltmp13:
0x21b: {  	[tilespmem:s11+$0x0] =	vst v1;
	v2 =	vmax.f32 v5, v2;
	(pc) =	sbr.rel @!p1 .LBB2_19-.Ltmp13, $4  }
0x21c: {  	v3 =	vmax.f32 v6, v3;
	[tilespmem:s3+$0xFFFFFFE0] =	vst v2  }
0x21d: {  	[tilespmem:s3+$0xFFFFFFF0] =	vst v3;
	v1 =	vmax.f32 v8, v7  }
0x21e: {  	s5 =	sadd.s32 $0x400, s5;
	s9 =	sadd.s32 $0x400, s9;
	s10 =	sadd.s32 $0x400, s10;
	[tilespmem:s17+$0x0] =	vst v1  }
0x21f: {  	_ = 	snop  }
.LBB2_21:
0x220: {  	_ =	sfence.sel $0x180000  }
0x221: {  	[bflag:$0x0] =	sbarrier.arrive $0xFFFF  }
0x222: {  	_ =	strace $0x90000047  }
0x223: {  	s0 =	stileid.u32;
	[bflag:$0x2] =	sbarrier.arrive $0xFFFF  }
0x224: {  	p0 =	sne.s32 s0, $0x0;
	s0 =	rddreg [dreg:$0x3]  }
0x225: {  	s0 =	sadd.s32 @!p0 $0x100000, s0  }
0x226: {  	[sflag:s0] =	ssyncadd.tile.s32 @!p0 $0x1;
	_ =	shalt  }
.Lfunc_end2:
_tile_overlayer_lowered:
.L_overlay_start_2:
0x227: {  	(tag) =	ssettag $0x2  }
0x228: {  	s0 =	rddreg [dreg:$0x0];
	s2 =	stileid.u32  }
0x229: {  	s1 =	rddreg [dreg:$0x1];
	p0 =	sne.s32 s2, $0x0  }
0x22a: {  	s3 =	rddreg [dreg:$0x2];
	[bflag:$0x3] =	sbarrier.arrive $0xFFFF;
	s2 =	simm.s32 @!p0 $0x1C07  }
0x22b: {  	[timem:s3], [sflag:s2] =	dma.local @!p0 [hbm:s0], s1  }
0x22c: {  	s0 =	simm.s32 @!p0 $0x7  }
0x22d: {  	_ =	swait.ge @!p0 [sflag:s0], s1  }
0x22e: {  	s1 =	ssub.s32 @!p0 $0x0, s1;
	[sflag:s0] =	ssyncset.done @!p0 $0x0  }
0x22f: {  	[sflag:s0] =	ssyncadd.s32 @!p0 s1  }
0x230: {  	[bflag:$0x3] =	sbarrier.arrive $0xFFFF  }
0x231: {  	_ =	shalt  }

</sc_bundles>
